<compile_context>
chip_gen: v7x
topology: tpu7x:2x2x1
jax: 0.10.2.dev20260603
libtpu: 0.0.44.dev20260713+nightly
codegen_flags: <defaults>
</compile_context>

<pallas_src>
import functools
import jax
import jax.numpy as jnp
from jax.experimental import pallas as pl

_NPOINT = 512
_RADII = [0.1, 0.2, 0.4]
_NSAMPLES = [16, 32, 64]
_CPAD = 32


def _index_points(points, idx):
    return jax.vmap(lambda p, i: p[i])(points, idx)


def _square_distance(src, dst):
    return (jnp.sum(src ** 2, -1)[:, :, None]
            + jnp.sum(dst ** 2, -1)[:, None, :]
            - 2.0 * jnp.einsum('bsc,bnc->bsn', src, dst))


def _fps_body(B, N, S, x_ref, idx_ref):
    x = x_ref[...]
    iota = jax.lax.broadcasted_iota(jnp.int32, (1, N), 1)

    def body(i, carry):
        dists, fars = carry
        ndists = []
        nfars = []
        for b in range(B):
            idx_ref[b, i] = fars[b]
            xb = x[8 * b:8 * b + 8]
            c = jnp.sum(jnp.where(iota == fars[b], xb, 0.0), axis=1,
                        keepdims=True)
            d = jnp.sum((xb - c) ** 2, axis=0, keepdims=True)
            nd = jnp.minimum(dists[b], d)
            m = jnp.max(nd)
            nf = jnp.min(jnp.where(nd == m, iota, N))
            ndists.append(nd)
            nfars.append(nf)
        return (tuple(ndists), tuple(nfars))

    dists0 = tuple(jnp.full((1, N), 1e10, jnp.float32) for _ in range(B))
    fars0 = tuple(jnp.int32(0) for _ in range(B))
    jax.lax.fori_loop(0, S, body, (dists0, fars0))


def _fps_idx(xyz, npoint):
    from jax.experimental.pallas import tpu as pltpu
    B, _, N = xyz.shape
    xpad = jnp.zeros((B, 8, N), jnp.float32).at[:, :3].set(xyz)
    return pl.pallas_call(
        functools.partial(_fps_body, B, N, npoint),
        out_specs=pl.BlockSpec(memory_space=pltpu.MemorySpace.SMEM),
        out_shape=jax.ShapeDtypeStruct((B, npoint), jnp.int32),
    )(xpad.reshape(8 * B, N))


def _ball_query(radius, nsample, xyz, new_xyz):
    B, N, C = xyz.shape
    S = new_xyz.shape[1]
    sqrdists = _square_distance(new_xyz, xyz)
    group_idx = jnp.broadcast_to(jnp.arange(N, dtype=jnp.int32), (B, S, N))
    group_idx = jnp.where(sqrdists > radius ** 2, N, group_idx)
    group_idx = jnp.sort(group_idx, axis=-1)[:, :, :nsample]
    group_first = jnp.broadcast_to(group_idx[:, :, :1], group_idx.shape)
    group_idx = jnp.where(group_idx == N, group_first, group_idx)
    return group_idx


def _mlp_pool_body(K, SB, g_ref, nx_ref, w1_ref, wx_ref, b1_ref,
                   w2_ref, b2_ref, w3_ref, b3_ref, out_ref):
    c1 = w1_ref.shape[1]
    g = g_ref[0]
    x = g.reshape(K * SB, _CPAD)
    a = jnp.dot(x, w1_ref[...], preferred_element_type=jnp.float32)
    nx = nx_ref[0]
    bm = jnp.dot(nx, wx_ref[...], preferred_element_type=jnp.float32)
    bex = jnp.broadcast_to(bm[None], (K, SB, c1)).reshape(K * SB, c1)
    z = jax.nn.relu(a - bex + b1_ref[...])
    z = jax.nn.relu(jnp.dot(z, w2_ref[...], preferred_element_type=jnp.float32)
                    + b2_ref[...])
    z = jax.nn.relu(jnp.dot(z, w3_ref[...], preferred_element_type=jnp.float32)
                    + b3_ref[...])
    c3 = z.shape[1]
    out_ref[0] = jnp.max(z.reshape(K, SB, c3), axis=0)


def _fold_params(branch):
    folded = []
    for (W, b, gamma, beta) in branch:
        scale = gamma / jnp.sqrt(jnp.ones_like(gamma) + 1e-3)
        folded.append((W * scale[None, :], b * scale + beta))
    return folded


def _branch_mlp_pool(gathered, nxT, branch_params, K):
    B = gathered.shape[0]
    S = gathered.shape[2]
    SB = 128
    (w1, b1), (w2, b2), (w3, b3) = _fold_params(branch_params)
    c1, c2, c3 = w1.shape[1], w2.shape[1], w3.shape[1]
    w1p = jnp.zeros((_CPAD, c1), jnp.float32).at[:w1.shape[0]].set(w1)
    wx = jnp.zeros((8, c1), jnp.float32).at[:3].set(w1[16:19])
    grid = (B, S // SB)
    out = pl.pallas_call(
        functools.partial(_mlp_pool_body, K, SB),
        grid=grid,
        in_specs=[
            pl.BlockSpec((1, K, SB, _CPAD), lambda b, s: (b, 0, s, 0)),
            pl.BlockSpec((1, SB, 8), lambda b, s: (b, s, 0)),
            pl.BlockSpec((_CPAD, c1), lambda b, s: (0, 0)),
            pl.BlockSpec((8, c1), lambda b, s: (0, 0)),
            pl.BlockSpec((1, c1), lambda b, s: (0, 0)),
            pl.BlockSpec((c1, c2), lambda b, s: (0, 0)),
            pl.BlockSpec((1, c2), lambda b, s: (0, 0)),
            pl.BlockSpec((c2, c3), lambda b, s: (0, 0)),
            pl.BlockSpec((1, c3), lambda b, s: (0, 0)),
        ],
        out_specs=pl.BlockSpec((1, SB, c3), lambda b, s: (b, s, 0)),
        out_shape=jax.ShapeDtypeStruct((B, S, c3), jnp.float32),
    )(gathered, nxT, w1p, wx, b1[None], w2, b2[None], w3, b3[None])
    return out


def kernel(xyz, points, params):
    xyz_t = jnp.transpose(xyz, (0, 2, 1))
    pts_t = jnp.transpose(points, (0, 2, 1))
    B, N, _ = xyz_t.shape
    S = _NPOINT

    fps_idx = _fps_idx(xyz, S)
    new_xyz = _index_points(xyz_t, fps_idx)
    nxT = jnp.zeros((B, S, 8), jnp.float32).at[:, :, :3].set(new_xyz)

    table = jnp.concatenate(
        [pts_t, xyz_t, jnp.zeros((B, N, _CPAD - 19), jnp.float32)], axis=-1)

    outs = []
    for i, radius in enumerate(_RADII):
        K = _NSAMPLES[i]
        gidx = _ball_query(radius, K, xyz_t, new_xyz)
        gidxT = jnp.transpose(gidx, (0, 2, 1))
        gathered = _index_points(table, gidxT)
        outs.append(_branch_mlp_pool(gathered, nxT, params[i], K))

    new_xyz_out = jnp.transpose(new_xyz, (0, 2, 1))
    new_points_concat = jnp.transpose(jnp.concatenate(outs, axis=-1), (0, 2, 1))
    return new_xyz_out, new_points_concat

# --- scband reference (transcript-rebuilt; emitter-appended) ---
"""Pipeline reference for scband-point-net-set-abstraction-msg-24575802868370 (READ-ONLY COPY).

The authoritative reference and input builder live on the scoring server;
editing this copy changes nothing except your own understanding.
"""

import jax, jax.numpy as jnp
import numpy as np

NPOINT = 512
RADIUS_LIST = [0.1, 0.2, 0.4]
NSAMPLE_LIST = [16, 32, 64]
MLP_LIST = [[32, 32, 64], [64, 64, 128], [64, 96, 128]]
D_IN = 16


def index_points(points, idx):
    # points [B,N,C], idx [B,...] -> [B,...,C]
    return jax.vmap(lambda p, i: p[i])(points, idx)


def square_distance(src, dst):
    # src [B,S,C], dst [B,N,C] -> [B,S,N]
    return (jnp.sum(src ** 2, -1)[:, :, None]
            + jnp.sum(dst ** 2, -1)[:, None, :]
            - 2.0 * jnp.einsum('bsc,bnc->bsn', src, dst))


def farthest_point_sample(xyz, npoint):
    B, N, C = xyz.shape
    def body(state, i):
        centroids, distance, farthest = state
        centroids = centroids.at[:, i].set(farthest)
        centroid = jnp.take_along_axis(xyz, farthest[:, None, None], axis=1)  # [B,1,C]
        dist = jnp.sum((xyz - centroid) ** 2, -1)  # [B,N]
        distance = jnp.minimum(distance, dist)
        farthest = jnp.argmax(distance, -1).astype(jnp.int32)
        return (centroids, distance, farthest), None
    centroids = jnp.zeros((B, npoint), dtype=jnp.int32)
    distance = jnp.full((B, N), 1e10, dtype=jnp.float32)
    farthest = jnp.zeros((B,), dtype=jnp.int32)
    (centroids, _, _), _ = jax.lax.scan(body, (centroids, distance, farthest), jnp.arange(npoint))
    return centroids


def query_ball_point(radius, nsample, xyz, new_xyz):
    B, N, C = xyz.shape
    S = new_xyz.shape[1]
    sqrdists = square_distance(new_xyz, xyz)  # [B,S,N]
    group_idx = jnp.broadcast_to(jnp.arange(N, dtype=jnp.int32), (B, S, N))
    group_idx = jnp.where(sqrdists > radius ** 2, N, group_idx)
    group_idx = jnp.sort(group_idx, axis=-1)[:, :, :nsample]
    group_first = jnp.broadcast_to(group_idx[:, :, :1], group_idx.shape)
    group_idx = jnp.where(group_idx == N, group_first, group_idx)
    return group_idx


def setup_inputs(seed: int = 0):
    key = jax.random.key(seed)
    k1, k2 = jax.random.split(key)
    xyz = jax.random.normal(k1, (8, 3, 4096), dtype=jnp.float32)
    points = jax.random.normal(k2, (8, D_IN, 4096), dtype=jnp.float32)
    rng = np.random.default_rng(0)
    params = []
    for mlp in MLP_LIST:
        c_in = D_IN + 3
        branch = []
        for c_out in mlp:
            W = jnp.asarray(rng.normal(0.0, 0.05, (c_in, c_out)), dtype=jnp.float32)
            b = jnp.zeros((c_out,), jnp.float32)
            gamma = jnp.ones((c_out,), jnp.float32)
            beta = jnp.zeros((c_out,), jnp.float32)
            branch.append((W, b, gamma, beta))
            c_in = c_out
        params.append(branch)
    return {"xyz": xyz, "points": points, "params": params}


def reference(xyz, points, params):
    xyz_t = jnp.transpose(xyz, (0, 2, 1))      # [B,N,3]
    pts_t = jnp.transpose(points, (0, 2, 1))   # [B,N,D]
    B, N, C = xyz_t.shape
    S = NPOINT
    fps_idx = farthest_point_sample(xyz_t, S)
    new_xyz = index_points(xyz_t, fps_idx)     # [B,S,3]
    new_points_list = []
    for i, radius in enumerate(RADIUS_LIST):
        K = NSAMPLE_LIST[i]
        group_idx = query_ball_point(radius, K, xyz_t, new_xyz)  # [B,S,K]
        grouped_xyz = index_points(xyz_t, group_idx)             # [B,S,K,3]
        grouped_xyz = grouped_xyz - new_xyz[:, :, None, :]
        grouped_points = index_points(pts_t, group_idx)          # [B,S,K,D]
        grouped_points = jnp.concatenate([grouped_points, grouped_xyz], -1)  # [B,S,K,D+3]
        gp = jnp.transpose(grouped_points, (0, 3, 2, 1))         # [B,D+3,K,S]
        for (W, b, gamma, beta) in params[i]:
            gp = jnp.einsum('bcks,co->boks', gp, W) + b[None, :, None, None]
            mean = jnp.zeros_like(gamma)
            var = jnp.ones_like(gamma)
            gp = ((gp - mean[None, :, None, None])
                  / jnp.sqrt(var + 1e-3)[None, :, None, None]
                  * gamma[None, :, None, None] + beta[None, :, None, None])
            gp = jax.nn.relu(gp)
        new_points = jnp.max(gp, axis=2)  # [B,C',S]
        new_points_list.append(new_points)
    new_xyz_out = jnp.transpose(new_xyz, (0, 2, 1))               # [B,3,S]
    new_points_concat = jnp.concatenate(new_points_list, axis=1)  # [B,320,S]
    return new_xyz_out, new_points_concat

if __name__ == "__main__":
    import jax
    _d = setup_inputs()
    print(jax.jit(kernel)(*tuple(_d.values())))

</pallas_src>

<mosaic_0001>
module attributes {stable_mosaic.version = 14 : i64} {
  func.func @_fps_body(%arg0: memref<64x4096xf32, #tpu.memory_space<vmem>>, %arg1: memref<8x512xi32, #tpu.memory_space<smem>>) attributes {dimension_semantics = [], scalar_prefetch = 0 : i64, scratch_operands = 0 : i64, tpu.core_type = #tpu.core_type<tc>} {
    %get3A = arith.constant 0 : index
    %get3A_0 = arith.constant 0 : index
    %get3A_1 = vector.load %arg0[%get3A, %get3A_0] : memref<64x4096xf32, #tpu.memory_space<vmem>>, vector<64x4096xf32>
    %iota3A = tpu.iota {dimensions = array<i32: 1>} : vector<1x4096xi32>
    %broadcast_in_dim3A = arith.constant 1.000000e+10 : f32
    %broadcast_in_dim3A_2 = vector.broadcast %broadcast_in_dim3A : f32 to vector<1x4096xf32>
    %broadcast_in_dim3A_3 = arith.constant 1.000000e+10 : f32
    %broadcast_in_dim3A_4 = vector.broadcast %broadcast_in_dim3A_3 : f32 to vector<1x4096xf32>
    %broadcast_in_dim3A_5 = arith.constant 1.000000e+10 : f32
    %broadcast_in_dim3A_6 = vector.broadcast %broadcast_in_dim3A_5 : f32 to vector<1x4096xf32>
    %broadcast_in_dim3A_7 = arith.constant 1.000000e+10 : f32
    %broadcast_in_dim3A_8 = vector.broadcast %broadcast_in_dim3A_7 : f32 to vector<1x4096xf32>
    %broadcast_in_dim3A_9 = arith.constant 1.000000e+10 : f32
    %broadcast_in_dim3A_10 = vector.broadcast %broadcast_in_dim3A_9 : f32 to vector<1x4096xf32>
    %broadcast_in_dim3A_11 = arith.constant 1.000000e+10 : f32
    %broadcast_in_dim3A_12 = vector.broadcast %broadcast_in_dim3A_11 : f32 to vector<1x4096xf32>
    %broadcast_in_dim3A_13 = arith.constant 1.000000e+10 : f32
    %broadcast_in_dim3A_14 = vector.broadcast %broadcast_in_dim3A_13 : f32 to vector<1x4096xf32>
    %broadcast_in_dim3A_15 = arith.constant 1.000000e+10 : f32
    %broadcast_in_dim3A_16 = vector.broadcast %broadcast_in_dim3A_15 : f32 to vector<1x4096xf32>
    %scan3A = arith.constant 0 : i32
    %scan3A_17 = arith.constant 0 : i32
    %scan3A_18 = arith.constant 0 : i32
    %scan3A_19 = arith.constant 0 : i32
    %scan3A_20 = arith.constant 0 : i32
    %scan3A_21 = arith.constant 0 : i32
    %scan3A_22 = arith.constant 0 : i32
    %scan3A_23 = arith.constant 0 : i32
    %scan3A_24 = arith.constant 0 : i32
    %scan3A_25 = arith.constant 512 : i32
    %scan3A_26 = arith.addi %scan3A_24, %scan3A_25 : i32
    %scan3A_27 = arith.constant 1 : i32
    %scan3A_28:16 = scf.for %scan3A_30 = %scan3A_24 to %scan3A_26 step %scan3A_27 iter_args(%scan3A_31 = %broadcast_in_dim3A_2, %scan3A_32 = %broadcast_in_dim3A_4, %scan3A_33 = %broadcast_in_dim3A_6, %scan3A_34 = %broadcast_in_dim3A_8, %scan3A_35 = %broadcast_in_dim3A_10, %scan3A_36 = %broadcast_in_dim3A_12, %scan3A_37 = %broadcast_in_dim3A_14, %scan3A_38 = %broadcast_in_dim3A_16, %scan3A_39 = %scan3A, %scan3A_40 = %scan3A_17, %scan3A_41 = %scan3A_18, %scan3A_42 = %scan3A_19, %scan3A_43 = %scan3A_20, %scan3A_44 = %scan3A_21, %scan3A_45 = %scan3A_22, %scan3A_46 = %scan3A_23) -> (vector<1x4096xf32>, vector<1x4096xf32>, vector<1x4096xf32>, vector<1x4096xf32>, vector<1x4096xf32>, vector<1x4096xf32>, vector<1x4096xf32>, vector<1x4096xf32>, i32, i32, i32, i32, i32, i32, i32, i32)  : i32 {
      %swap3A = arith.constant 0 : index
      %swap3A_47 = arith.index_cast %scan3A_30 : i32 to index
      %swap3A_48 = memref.load %arg1[%swap3A, %swap3A_47] : memref<8x512xi32, #tpu.memory_space<smem>>
      memref.store %scan3A_39, %arg1[%swap3A, %swap3A_47] : memref<8x512xi32, #tpu.memory_space<smem>>
      %slice3A = vector.extract_strided_slice %get3A_1 {offsets = [0, 0], sizes = [8, 4096], strides = [1, 1]} : vector<64x4096xf32> to vector<8x4096xf32>
      %eq3A = vector.broadcast %scan3A_39 : i32 to vector<1x4096xi32>
      %eq3A_49 = arith.cmpi eq, %iota3A, %eq3A : vector<1x4096xi32>
      %jit3A = arith.constant 0.000000e+00 : f32
      %broadcast_in_dim3A_50 = vector.shape_cast %eq3A_49 : vector<1x4096xi1> to vector<1x4096xi1>
      %broadcast_in_dim3A_51 = vector.broadcast %broadcast_in_dim3A_50 : vector<1x4096xi1> to vector<8x4096xi1>
      %broadcast_in_dim3A_52 = vector.broadcast %jit3A : f32 to vector<8x4096xf32>
      %select_n3A = arith.select %broadcast_in_dim3A_51, %slice3A, %broadcast_in_dim3A_52 : vector<8x4096xi1>, vector<8x4096xf32>
      %reduce_sum3A = arith.constant dense<0.000000e+00> : vector<8xf32>
      %reduce_sum3A_53 = vector.multi_reduction <add>, %select_n3A, %reduce_sum3A [1] : vector<8x4096xf32> to vector<8xf32>
      %broadcast_in_dim3A_54 = vector.shape_cast %reduce_sum3A_53 : vector<8xf32> to vector<8x1xf32>
      %sub3A = vector.broadcast %broadcast_in_dim3A_54 : vector<8x1xf32> to vector<8x4096xf32>
      %sub3A_55 = arith.subf %slice3A, %sub3A : vector<8x4096xf32>
      %integer_pow3A = arith.mulf %sub3A_55, %sub3A_55 : vector<8x4096xf32>
      %reduce_sum3A_56 = arith.constant dense<0.000000e+00> : vector<4096xf32>
      %reduce_sum3A_57 = vector.multi_reduction <add>, %integer_pow3A, %reduce_sum3A_56 [0] : vector<8x4096xf32> to vector<4096xf32>
      %broadcast_in_dim3A_58 = vector.shape_cast %reduce_sum3A_57 : vector<4096xf32> to vector<1x4096xf32>
      %min3A = arith.minimumf %scan3A_31, %broadcast_in_dim3A_58 : vector<1x4096xf32>
      %reduce_max3A = vector.shape_cast %min3A : vector<1x4096xf32> to vector<1x1x4096xf32>
      %reduce_max3A_59 = arith.constant dense<0xFF800000> : vector<1xf32>
      %reduce_max3A_60 = vector.multi_reduction <maximumf>, %reduce_max3A, %reduce_max3A_59 [1, 2] : vector<1x1x4096xf32> to vector<1xf32>
      %reduce_max3A_61 = vector.shape_cast %reduce_max3A_60 : vector<1xf32> to vector<1x1x1xf32>
      %reduce_max3A_62 = vector.extract %reduce_max3A_61[0, 0, 0] : f32 from vector<1x1x1xf32>
      %eq3A_63 = vector.broadcast %reduce_max3A_62 : f32 to vector<1x4096xf32>
      %eq3A_64 = arith.cmpf oeq, %min3A, %eq3A_63 : vector<1x4096xf32>
      %jit3A_65 = arith.constant 4096 : i32
      %broadcast_in_dim3A_66 = vector.broadcast %jit3A_65 : i32 to vector<1x4096xi32>
      %select_n3A_67 = arith.select %eq3A_64, %iota3A, %broadcast_in_dim3A_66 : vector<1x4096xi1>, vector<1x4096xi32>
      %reduce_min3A = vector.shape_cast %select_n3A_67 : vector<1x4096xi32> to vector<1x1x4096xi32>
      %reduce_min3A_68 = arith.constant dense<2147483647> : vector<1xi32>
      %reduce_min3A_69 = vector.multi_reduction <minsi>, %reduce_min3A, %reduce_min3A_68 [1, 2] : vector<1x1x4096xi32> to vector<1xi32>
      %reduce_min3A_70 = vector.shape_cast %reduce_min3A_69 : vector<1xi32> to vector<1x1x1xi32>
      %reduce_min3A_71 = vector.extract %reduce_min3A_70[0, 0, 0] : i32 from vector<1x1x1xi32>
      %swap3A_72 = arith.constant 1 : index
      %swap3A_73 = arith.index_cast %scan3A_30 : i32 to index
      %swap3A_74 = memref.load %arg1[%swap3A_72, %swap3A_73] : memref<8x512xi32, #tpu.memory_space<smem>>
      memref.store %scan3A_40, %arg1[%swap3A_72, %swap3A_73] : memref<8x512xi32, #tpu.memory_space<smem>>
      %slice3A_75 = vector.extract_strided_slice %get3A_1 {offsets = [8, 0], sizes = [8, 4096], strides = [1, 1]} : vector<64x4096xf32> to vector<8x4096xf32>
      %eq3A_76 = vector.broadcast %scan3A_40 : i32 to vector<1x4096xi32>
      %eq3A_77 = arith.cmpi eq, %iota3A, %eq3A_76 : vector<1x4096xi32>
      %jit3A_78 = arith.constant 0.000000e+00 : f32
      %broadcast_in_dim3A_79 = vector.shape_cast %eq3A_77 : vector<1x4096xi1> to vector<1x4096xi1>
      %broadcast_in_dim3A_80 = vector.broadcast %broadcast_in_dim3A_79 : vector<1x4096xi1> to vector<8x4096xi1>
      %broadcast_in_dim3A_81 = vector.broadcast %jit3A_78 : f32 to vector<8x4096xf32>
      %select_n3A_82 = arith.select %broadcast_in_dim3A_80, %slice3A_75, %broadcast_in_dim3A_81 : vector<8x4096xi1>, vector<8x4096xf32>
      %reduce_sum3A_83 = arith.constant dense<0.000000e+00> : vector<8xf32>
      %reduce_sum3A_84 = vector.multi_reduction <add>, %select_n3A_82, %reduce_sum3A_83 [1] : vector<8x4096xf32> to vector<8xf32>
      %broadcast_in_dim3A_85 = vector.shape_cast %reduce_sum3A_84 : vector<8xf32> to vector<8x1xf32>
      %sub3A_86 = vector.broadcast %broadcast_in_dim3A_85 : vector<8x1xf32> to vector<8x4096xf32>
      %sub3A_87 = arith.subf %slice3A_75, %sub3A_86 : vector<8x4096xf32>
      %integer_pow3A_88 = arith.mulf %sub3A_87, %sub3A_87 : vector<8x4096xf32>
      %reduce_sum3A_89 = arith.constant dense<0.000000e+00> : vector<4096xf32>
      %reduce_sum3A_90 = vector.multi_reduction <add>, %integer_pow3A_88, %reduce_sum3A_89 [0] : vector<8x4096xf32> to vector<4096xf32>
      %broadcast_in_dim3A_91 = vector.shape_cast %reduce_sum3A_90 : vector<4096xf32> to vector<1x4096xf32>
      %min3A_92 = arith.minimumf %scan3A_32, %broadcast_in_dim3A_91 : vector<1x4096xf32>
      %reduce_max3A_93 = vector.shape_cast %min3A_92 : vector<1x4096xf32> to vector<1x1x4096xf32>
      %reduce_max3A_94 = arith.constant dense<0xFF800000> : vector<1xf32>
      %reduce_max3A_95 = vector.multi_reduction <maximumf>, %reduce_max3A_93, %reduce_max3A_94 [1, 2] : vector<1x1x4096xf32> to vector<1xf32>
      %reduce_max3A_96 = vector.shape_cast %reduce_max3A_95 : vector<1xf32> to vector<1x1x1xf32>
      %reduce_max3A_97 = vector.extract %reduce_max3A_96[0, 0, 0] : f32 from vector<1x1x1xf32>
      %eq3A_98 = vector.broadcast %reduce_max3A_97 : f32 to vector<1x4096xf32>
      %eq3A_99 = arith.cmpf oeq, %min3A_92, %eq3A_98 : vector<1x4096xf32>
      %jit3A_100 = arith.constant 4096 : i32
      %broadcast_in_dim3A_101 = vector.broadcast %jit3A_100 : i32 to vector<1x4096xi32>
      %select_n3A_102 = arith.select %eq3A_99, %iota3A, %broadcast_in_dim3A_101 : vector<1x4096xi1>, vector<1x4096xi32>
      %reduce_min3A_103 = vector.shape_cast %select_n3A_102 : vector<1x4096xi32> to vector<1x1x4096xi32>
      %reduce_min3A_104 = arith.constant dense<2147483647> : vector<1xi32>
      %reduce_min3A_105 = vector.multi_reduction <minsi>, %reduce_min3A_103, %reduce_min3A_104 [1, 2] : vector<1x1x4096xi32> to vector<1xi32>
      %reduce_min3A_106 = vector.shape_cast %reduce_min3A_105 : vector<1xi32> to vector<1x1x1xi32>
      %reduce_min3A_107 = vector.extract %reduce_min3A_106[0, 0, 0] : i32 from vector<1x1x1xi32>
      %swap3A_108 = arith.constant 2 : index
      %swap3A_109 = arith.index_cast %scan3A_30 : i32 to index
      %swap3A_110 = memref.load %arg1[%swap3A_108, %swap3A_109] : memref<8x512xi32, #tpu.memory_space<smem>>
      memref.store %scan3A_41, %arg1[%swap3A_108, %swap3A_109] : memref<8x512xi32, #tpu.memory_space<smem>>
      %slice3A_111 = vector.extract_strided_slice %get3A_1 {offsets = [16, 0], sizes = [8, 4096], strides = [1, 1]} : vector<64x4096xf32> to vector<8x4096xf32>
      %eq3A_112 = vector.broadcast %scan3A_41 : i32 to vector<1x4096xi32>
      %eq3A_113 = arith.cmpi eq, %iota3A, %eq3A_112 : vector<1x4096xi32>
      %jit3A_114 = arith.constant 0.000000e+00 : f32
      %broadcast_in_dim3A_115 = vector.shape_cast %eq3A_113 : vector<1x4096xi1> to vector<1x4096xi1>
      %broadcast_in_dim3A_116 = vector.broadcast %broadcast_in_dim3A_115 : vector<1x4096xi1> to vector<8x4096xi1>
      %broadcast_in_dim3A_117 = vector.broadcast %jit3A_114 : f32 to vector<8x4096xf32>
      %select_n3A_118 = arith.select %broadcast_in_dim3A_116, %slice3A_111, %broadcast_in_dim3A_117 : vector<8x4096xi1>, vector<8x4096xf32>
      %reduce_sum3A_119 = arith.constant dense<0.000000e+00> : vector<8xf32>
      %reduce_sum3A_120 = vector.multi_reduction <add>, %select_n3A_118, %reduce_sum3A_119 [1] : vector<8x4096xf32> to vector<8xf32>
      %broadcast_in_dim3A_121 = vector.shape_cast %reduce_sum3A_120 : vector<8xf32> to vector<8x1xf32>
      %sub3A_122 = vector.broadcast %broadcast_in_dim3A_121 : vector<8x1xf32> to vector<8x4096xf32>
      %sub3A_123 = arith.subf %slice3A_111, %sub3A_122 : vector<8x4096xf32>
      %integer_pow3A_124 = arith.mulf %sub3A_123, %sub3A_123 : vector<8x4096xf32>
      %reduce_sum3A_125 = arith.constant dense<0.000000e+00> : vector<4096xf32>
      %reduce_sum3A_126 = vector.multi_reduction <add>, %integer_pow3A_124, %reduce_sum3A_125 [0] : vector<8x4096xf32> to vector<4096xf32>
      %broadcast_in_dim3A_127 = vector.shape_cast %reduce_sum3A_126 : vector<4096xf32> to vector<1x4096xf32>
      %min3A_128 = arith.minimumf %scan3A_33, %broadcast_in_dim3A_127 : vector<1x4096xf32>
      %reduce_max3A_129 = vector.shape_cast %min3A_128 : vector<1x4096xf32> to vector<1x1x4096xf32>
      %reduce_max3A_130 = arith.constant dense<0xFF800000> : vector<1xf32>
      %reduce_max3A_131 = vector.multi_reduction <maximumf>, %reduce_max3A_129, %reduce_max3A_130 [1, 2] : vector<1x1x4096xf32> to vector<1xf32>
      %reduce_max3A_132 = vector.shape_cast %reduce_max3A_131 : vector<1xf32> to vector<1x1x1xf32>
      %reduce_max3A_133 = vector.extract %reduce_max3A_132[0, 0, 0] : f32 from vector<1x1x1xf32>
      %eq3A_134 = vector.broadcast %reduce_max3A_133 : f32 to vector<1x4096xf32>
      %eq3A_135 = arith.cmpf oeq, %min3A_128, %eq3A_134 : vector<1x4096xf32>
      %jit3A_136 = arith.constant 4096 : i32
      %broadcast_in_dim3A_137 = vector.broadcast %jit3A_136 : i32 to vector<1x4096xi32>
      %select_n3A_138 = arith.select %eq3A_135, %iota3A, %broadcast_in_dim3A_137 : vector<1x4096xi1>, vector<1x4096xi32>
      %reduce_min3A_139 = vector.shape_cast %select_n3A_138 : vector<1x4096xi32> to vector<1x1x4096xi32>
      %reduce_min3A_140 = arith.constant dense<2147483647> : vector<1xi32>
      %reduce_min3A_141 = vector.multi_reduction <minsi>, %reduce_min3A_139, %reduce_min3A_140 [1, 2] : vector<1x1x4096xi32> to vector<1xi32>
      %reduce_min3A_142 = vector.shape_cast %reduce_min3A_141 : vector<1xi32> to vector<1x1x1xi32>
      %reduce_min3A_143 = vector.extract %reduce_min3A_142[0, 0, 0] : i32 from vector<1x1x1xi32>
      %swap3A_144 = arith.constant 3 : index
      %swap3A_145 = arith.index_cast %scan3A_30 : i32 to index
      %swap3A_146 = memref.load %arg1[%swap3A_144, %swap3A_145] : memref<8x512xi32, #tpu.memory_space<smem>>
      memref.store %scan3A_42, %arg1[%swap3A_144, %swap3A_145] : memref<8x512xi32, #tpu.memory_space<smem>>
      %slice3A_147 = vector.extract_strided_slice %get3A_1 {offsets = [24, 0], sizes = [8, 4096], strides = [1, 1]} : vector<64x4096xf32> to vector<8x4096xf32>
      %eq3A_148 = vector.broadcast %scan3A_42 : i32 to vector<1x4096xi32>
      %eq3A_149 = arith.cmpi eq, %iota3A, %eq3A_148 : vector<1x4096xi32>
      %jit3A_150 = arith.constant 0.000000e+00 : f32
      %broadcast_in_dim3A_151 = vector.shape_cast %eq3A_149 : vector<1x4096xi1> to vector<1x4096xi1>
      %broadcast_in_dim3A_152 = vector.broadcast %broadcast_in_dim3A_151 : vector<1x4096xi1> to vector<8x4096xi1>
      %broadcast_in_dim3A_153 = vector.broadcast %jit3A_150 : f32 to vector<8x4096xf32>
      %select_n3A_154 = arith.select %broadcast_in_dim3A_152, %slice3A_147, %broadcast_in_dim3A_153 : vector<8x4096xi1>, vector<8x4096xf32>
      %reduce_sum3A_155 = arith.constant dense<0.000000e+00> : vector<8xf32>
      %reduce_sum3A_156 = vector.multi_reduction <add>, %select_n3A_154, %reduce_sum3A_155 [1] : vector<8x4096xf32> to vector<8xf32>
      %broadcast_in_dim3A_157 = vector.shape_cast %reduce_sum3A_156 : vector<8xf32> to vector<8x1xf32>
      %sub3A_158 = vector.broadcast %broadcast_in_dim3A_157 : vector<8x1xf32> to vector<8x4096xf32>
      %sub3A_159 = arith.subf %slice3A_147, %sub3A_158 : vector<8x4096xf32>
      %integer_pow3A_160 = arith.mulf %sub3A_159, %sub3A_159 : vector<8x4096xf32>
      %reduce_sum3A_161 = arith.constant dense<0.000000e+00> : vector<4096xf32>
      %reduce_sum3A_162 = vector.multi_reduction <add>, %integer_pow3A_160, %reduce_sum3A_161 [0] : vector<8x4096xf32> to vector<4096xf32>
      %broadcast_in_dim3A_163 = vector.shape_cast %reduce_sum3A_162 : vector<4096xf32> to vector<1x4096xf32>
      %min3A_164 = arith.minimumf %scan3A_34, %broadcast_in_dim3A_163 : vector<1x4096xf32>
      %reduce_max3A_165 = vector.shape_cast %min3A_164 : vector<1x4096xf32> to vector<1x1x4096xf32>
      %reduce_max3A_166 = arith.constant dense<0xFF800000> : vector<1xf32>
      %reduce_max3A_167 = vector.multi_reduction <maximumf>, %reduce_max3A_165, %reduce_max3A_166 [1, 2] : vector<1x1x4096xf32> to vector<1xf32>
      %reduce_max3A_168 = vector.shape_cast %reduce_max3A_167 : vector<1xf32> to vector<1x1x1xf32>
      %reduce_max3A_169 = vector.extract %reduce_max3A_168[0, 0, 0] : f32 from vector<1x1x1xf32>
      %eq3A_170 = vector.broadcast %reduce_max3A_169 : f32 to vector<1x4096xf32>
      %eq3A_171 = arith.cmpf oeq, %min3A_164, %eq3A_170 : vector<1x4096xf32>
      %jit3A_172 = arith.constant 4096 : i32
      %broadcast_in_dim3A_173 = vector.broadcast %jit3A_172 : i32 to vector<1x4096xi32>
      %select_n3A_174 = arith.select %eq3A_171, %iota3A, %broadcast_in_dim3A_173 : vector<1x4096xi1>, vector<1x4096xi32>
      %reduce_min3A_175 = vector.shape_cast %select_n3A_174 : vector<1x4096xi32> to vector<1x1x4096xi32>
      %reduce_min3A_176 = arith.constant dense<2147483647> : vector<1xi32>
      %reduce_min3A_177 = vector.multi_reduction <minsi>, %reduce_min3A_175, %reduce_min3A_176 [1, 2] : vector<1x1x4096xi32> to vector<1xi32>
      %reduce_min3A_178 = vector.shape_cast %reduce_min3A_177 : vector<1xi32> to vector<1x1x1xi32>
      %reduce_min3A_179 = vector.extract %reduce_min3A_178[0, 0, 0] : i32 from vector<1x1x1xi32>
      %swap3A_180 = arith.constant 4 : index
      %swap3A_181 = arith.index_cast %scan3A_30 : i32 to index
      %swap3A_182 = memref.load %arg1[%swap3A_180, %swap3A_181] : memref<8x512xi32, #tpu.memory_space<smem>>
      memref.store %scan3A_43, %arg1[%swap3A_180, %swap3A_181] : memref<8x512xi32, #tpu.memory_space<smem>>
      %slice3A_183 = vector.extract_strided_slice %get3A_1 {offsets = [32, 0], sizes = [8, 4096], strides = [1, 1]} : vector<64x4096xf32> to vector<8x4096xf32>
      %eq3A_184 = vector.broadcast %scan3A_43 : i32 to vector<1x4096xi32>
      %eq3A_185 = arith.cmpi eq, %iota3A, %eq3A_184 : vector<1x4096xi32>
      %jit3A_186 = arith.constant 0.000000e+00 : f32
      %broadcast_in_dim3A_187 = vector.shape_cast %eq3A_185 : vector<1x4096xi1> to vector<1x4096xi1>
      %broadcast_in_dim3A_188 = vector.broadcast %broadcast_in_dim3A_187 : vector<1x4096xi1> to vector<8x4096xi1>
      %broadcast_in_dim3A_189 = vector.broadcast %jit3A_186 : f32 to vector<8x4096xf32>
      %select_n3A_190 = arith.select %broadcast_in_dim3A_188, %slice3A_183, %broadcast_in_dim3A_189 : vector<8x4096xi1>, vector<8x4096xf32>
      %reduce_sum3A_191 = arith.constant dense<0.000000e+00> : vector<8xf32>
      %reduce_sum3A_192 = vector.multi_reduction <add>, %select_n3A_190, %reduce_sum3A_191 [1] : vector<8x4096xf32> to vector<8xf32>
      %broadcast_in_dim3A_193 = vector.shape_cast %reduce_sum3A_192 : vector<8xf32> to vector<8x1xf32>
      %sub3A_194 = vector.broadcast %broadcast_in_dim3A_193 : vector<8x1xf32> to vector<8x4096xf32>
      %sub3A_195 = arith.subf %slice3A_183, %sub3A_194 : vector<8x4096xf32>
      %integer_pow3A_196 = arith.mulf %sub3A_195, %sub3A_195 : vector<8x4096xf32>
      %reduce_sum3A_197 = arith.constant dense<0.000000e+00> : vector<4096xf32>
      %reduce_sum3A_198 = vector.multi_reduction <add>, %integer_pow3A_196, %reduce_sum3A_197 [0] : vector<8x4096xf32> to vector<4096xf32>
      %broadcast_in_dim3A_199 = vector.shape_cast %reduce_sum3A_198 : vector<4096xf32> to vector<1x4096xf32>
      %min3A_200 = arith.minimumf %scan3A_35, %broadcast_in_dim3A_199 : vector<1x4096xf32>
      %reduce_max3A_201 = vector.shape_cast %min3A_200 : vector<1x4096xf32> to vector<1x1x4096xf32>
      %reduce_max3A_202 = arith.constant dense<0xFF800000> : vector<1xf32>
      %reduce_max3A_203 = vector.multi_reduction <maximumf>, %reduce_max3A_201, %reduce_max3A_202 [1, 2] : vector<1x1x4096xf32> to vector<1xf32>
      %reduce_max3A_204 = vector.shape_cast %reduce_max3A_203 : vector<1xf32> to vector<1x1x1xf32>
      %reduce_max3A_205 = vector.extract %reduce_max3A_204[0, 0, 0] : f32 from vector<1x1x1xf32>
      %eq3A_206 = vector.broadcast %reduce_max3A_205 : f32 to vector<1x4096xf32>
      %eq3A_207 = arith.cmpf oeq, %min3A_200, %eq3A_206 : vector<1x4096xf32>
      %jit3A_208 = arith.constant 4096 : i32
      %broadcast_in_dim3A_209 = vector.broadcast %jit3A_208 : i32 to vector<1x4096xi32>
      %select_n3A_210 = arith.select %eq3A_207, %iota3A, %broadcast_in_dim3A_209 : vector<1x4096xi1>, vector<1x4096xi32>
      %reduce_min3A_211 = vector.shape_cast %select_n3A_210 : vector<1x4096xi32> to vector<1x1x4096xi32>
      %reduce_min3A_212 = arith.constant dense<2147483647> : vector<1xi32>
      %reduce_min3A_213 = vector.multi_reduction <minsi>, %reduce_min3A_211, %reduce_min3A_212 [1, 2] : vector<1x1x4096xi32> to vector<1xi32>
      %reduce_min3A_214 = vector.shape_cast %reduce_min3A_213 : vector<1xi32> to vector<1x1x1xi32>
      %reduce_min3A_215 = vector.extract %reduce_min3A_214[0, 0, 0] : i32 from vector<1x1x1xi32>
      %swap3A_216 = arith.constant 5 : index
      %swap3A_217 = arith.index_cast %scan3A_30 : i32 to index
      %swap3A_218 = memref.load %arg1[%swap3A_216, %swap3A_217] : memref<8x512xi32, #tpu.memory_space<smem>>
      memref.store %scan3A_44, %arg1[%swap3A_216, %swap3A_217] : memref<8x512xi32, #tpu.memory_space<smem>>
      %slice3A_219 = vector.extract_strided_slice %get3A_1 {offsets = [40, 0], sizes = [8, 4096], strides = [1, 1]} : vector<64x4096xf32> to vector<8x4096xf32>
      %eq3A_220 = vector.broadcast %scan3A_44 : i32 to vector<1x4096xi32>
      %eq3A_221 = arith.cmpi eq, %iota3A, %eq3A_220 : vector<1x4096xi32>
      %jit3A_222 = arith.constant 0.000000e+00 : f32
      %broadcast_in_dim3A_223 = vector.shape_cast %eq3A_221 : vector<1x4096xi1> to vector<1x4096xi1>
      %broadcast_in_dim3A_224 = vector.broadcast %broadcast_in_dim3A_223 : vector<1x4096xi1> to vector<8x4096xi1>
      %broadcast_in_dim3A_225 = vector.broadcast %jit3A_222 : f32 to vector<8x4096xf32>
      %select_n3A_226 = arith.select %broadcast_in_dim3A_224, %slice3A_219, %broadcast_in_dim3A_225 : vector<8x4096xi1>, vector<8x4096xf32>
      %reduce_sum3A_227 = arith.constant dense<0.000000e+00> : vector<8xf32>
      %reduce_sum3A_228 = vector.multi_reduction <add>, %select_n3A_226, %reduce_sum3A_227 [1] : vector<8x4096xf32> to vector<8xf32>
      %broadcast_in_dim3A_229 = vector.shape_cast %reduce_sum3A_228 : vector<8xf32> to vector<8x1xf32>
      %sub3A_230 = vector.broadcast %broadcast_in_dim3A_229 : vector<8x1xf32> to vector<8x4096xf32>
      %sub3A_231 = arith.subf %slice3A_219, %sub3A_230 : vector<8x4096xf32>
      %integer_pow3A_232 = arith.mulf %sub3A_231, %sub3A_231 : vector<8x4096xf32>
      %reduce_sum3A_233 = arith.constant dense<0.000000e+00> : vector<4096xf32>
      %reduce_sum3A_234 = vector.multi_reduction <add>, %integer_pow3A_232, %reduce_sum3A_233 [0] : vector<8x4096xf32> to vector<4096xf32>
      %broadcast_in_dim3A_235 = vector.shape_cast %reduce_sum3A_234 : vector<4096xf32> to vector<1x4096xf32>
      %min3A_236 = arith.minimumf %scan3A_36, %broadcast_in_dim3A_235 : vector<1x4096xf32>
      %reduce_max3A_237 = vector.shape_cast %min3A_236 : vector<1x4096xf32> to vector<1x1x4096xf32>
      %reduce_max3A_238 = arith.constant dense<0xFF800000> : vector<1xf32>
      %reduce_max3A_239 = vector.multi_reduction <maximumf>, %reduce_max3A_237, %reduce_max3A_238 [1, 2] : vector<1x1x4096xf32> to vector<1xf32>
      %reduce_max3A_240 = vector.shape_cast %reduce_max3A_239 : vector<1xf32> to vector<1x1x1xf32>
      %reduce_max3A_241 = vector.extract %reduce_max3A_240[0, 0, 0] : f32 from vector<1x1x1xf32>
      %eq3A_242 = vector.broadcast %reduce_max3A_241 : f32 to vector<1x4096xf32>
      %eq3A_243 = arith.cmpf oeq, %min3A_236, %eq3A_242 : vector<1x4096xf32>
      %jit3A_244 = arith.constant 4096 : i32
      %broadcast_in_dim3A_245 = vector.broadcast %jit3A_244 : i32 to vector<1x4096xi32>
      %select_n3A_246 = arith.select %eq3A_243, %iota3A, %broadcast_in_dim3A_245 : vector<1x4096xi1>, vector<1x4096xi32>
      %reduce_min3A_247 = vector.shape_cast %select_n3A_246 : vector<1x4096xi32> to vector<1x1x4096xi32>
      %reduce_min3A_248 = arith.constant dense<2147483647> : vector<1xi32>
      %reduce_min3A_249 = vector.multi_reduction <minsi>, %reduce_min3A_247, %reduce_min3A_248 [1, 2] : vector<1x1x4096xi32> to vector<1xi32>
      %reduce_min3A_250 = vector.shape_cast %reduce_min3A_249 : vector<1xi32> to vector<1x1x1xi32>
      %reduce_min3A_251 = vector.extract %reduce_min3A_250[0, 0, 0] : i32 from vector<1x1x1xi32>
      %swap3A_252 = arith.constant 6 : index
      %swap3A_253 = arith.index_cast %scan3A_30 : i32 to index
      %swap3A_254 = memref.load %arg1[%swap3A_252, %swap3A_253] : memref<8x512xi32, #tpu.memory_space<smem>>
      memref.store %scan3A_45, %arg1[%swap3A_252, %swap3A_253] : memref<8x512xi32, #tpu.memory_space<smem>>
      %slice3A_255 = vector.extract_strided_slice %get3A_1 {offsets = [48, 0], sizes = [8, 4096], strides = [1, 1]} : vector<64x4096xf32> to vector<8x4096xf32>
      %eq3A_256 = vector.broadcast %scan3A_45 : i32 to vector<1x4096xi32>
      %eq3A_257 = arith.cmpi eq, %iota3A, %eq3A_256 : vector<1x4096xi32>
      %jit3A_258 = arith.constant 0.000000e+00 : f32
      %broadcast_in_dim3A_259 = vector.shape_cast %eq3A_257 : vector<1x4096xi1> to vector<1x4096xi1>
      %broadcast_in_dim3A_260 = vector.broadcast %broadcast_in_dim3A_259 : vector<1x4096xi1> to vector<8x4096xi1>
      %broadcast_in_dim3A_261 = vector.broadcast %jit3A_258 : f32 to vector<8x4096xf32>
      %select_n3A_262 = arith.select %broadcast_in_dim3A_260, %slice3A_255, %broadcast_in_dim3A_261 : vector<8x4096xi1>, vector<8x4096xf32>
      %reduce_sum3A_263 = arith.constant dense<0.000000e+00> : vector<8xf32>
      %reduce_sum3A_264 = vector.multi_reduction <add>, %select_n3A_262, %reduce_sum3A_263 [1] : vector<8x4096xf32> to vector<8xf32>
      %broadcast_in_dim3A_265 = vector.shape_cast %reduce_sum3A_264 : vector<8xf32> to vector<8x1xf32>
      %sub3A_266 = vector.broadcast %broadcast_in_dim3A_265 : vector<8x1xf32> to vector<8x4096xf32>
      %sub3A_267 = arith.subf %slice3A_255, %sub3A_266 : vector<8x4096xf32>
      %integer_pow3A_268 = arith.mulf %sub3A_267, %sub3A_267 : vector<8x4096xf32>
      %reduce_sum3A_269 = arith.constant dense<0.000000e+00> : vector<4096xf32>
      %reduce_sum3A_270 = vector.multi_reduction <add>, %integer_pow3A_268, %reduce_sum3A_269 [0] : vector<8x4096xf32> to vector<4096xf32>
      %broadcast_in_dim3A_271 = vector.shape_cast %reduce_sum3A_270 : vector<4096xf32> to vector<1x4096xf32>
      %min3A_272 = arith.minimumf %scan3A_37, %broadcast_in_dim3A_271 : vector<1x4096xf32>
      %reduce_max3A_273 = vector.shape_cast %min3A_272 : vector<1x4096xf32> to vector<1x1x4096xf32>
      %reduce_max3A_274 = arith.constant dense<0xFF800000> : vector<1xf32>
      %reduce_max3A_275 = vector.multi_reduction <maximumf>, %reduce_max3A_273, %reduce_max3A_274 [1, 2] : vector<1x1x4096xf32> to vector<1xf32>
      %reduce_max3A_276 = vector.shape_cast %reduce_max3A_275 : vector<1xf32> to vector<1x1x1xf32>
      %reduce_max3A_277 = vector.extract %reduce_max3A_276[0, 0, 0] : f32 from vector<1x1x1xf32>
      %eq3A_278 = vector.broadcast %reduce_max3A_277 : f32 to vector<1x4096xf32>
      %eq3A_279 = arith.cmpf oeq, %min3A_272, %eq3A_278 : vector<1x4096xf32>
      %jit3A_280 = arith.constant 4096 : i32
      %broadcast_in_dim3A_281 = vector.broadcast %jit3A_280 : i32 to vector<1x4096xi32>
      %select_n3A_282 = arith.select %eq3A_279, %iota3A, %broadcast_in_dim3A_281 : vector<1x4096xi1>, vector<1x4096xi32>
      %reduce_min3A_283 = vector.shape_cast %select_n3A_282 : vector<1x4096xi32> to vector<1x1x4096xi32>
      %reduce_min3A_284 = arith.constant dense<2147483647> : vector<1xi32>
      %reduce_min3A_285 = vector.multi_reduction <minsi>, %reduce_min3A_283, %reduce_min3A_284 [1, 2] : vector<1x1x4096xi32> to vector<1xi32>
      %reduce_min3A_286 = vector.shape_cast %reduce_min3A_285 : vector<1xi32> to vector<1x1x1xi32>
      %reduce_min3A_287 = vector.extract %reduce_min3A_286[0, 0, 0] : i32 from vector<1x1x1xi32>
      %swap3A_288 = arith.constant 7 : index
      %swap3A_289 = arith.index_cast %scan3A_30 : i32 to index
      %swap3A_290 = memref.load %arg1[%swap3A_288, %swap3A_289] : memref<8x512xi32, #tpu.memory_space<smem>>
      memref.store %scan3A_46, %arg1[%swap3A_288, %swap3A_289] : memref<8x512xi32, #tpu.memory_space<smem>>
      %slice3A_291 = vector.extract_strided_slice %get3A_1 {offsets = [56, 0], sizes = [8, 4096], strides = [1, 1]} : vector<64x4096xf32> to vector<8x4096xf32>
      %eq3A_292 = vector.broadcast %scan3A_46 : i32 to vector<1x4096xi32>
      %eq3A_293 = arith.cmpi eq, %iota3A, %eq3A_292 : vector<1x4096xi32>
      %jit3A_294 = arith.constant 0.000000e+00 : f32
      %broadcast_in_dim3A_295 = vector.shape_cast %eq3A_293 : vector<1x4096xi1> to vector<1x4096xi1>
      %broadcast_in_dim3A_296 = vector.broadcast %broadcast_in_dim3A_295 : vector<1x4096xi1> to vector<8x4096xi1>
      %broadcast_in_dim3A_297 = vector.broadcast %jit3A_294 : f32 to vector<8x4096xf32>
      %select_n3A_298 = arith.select %broadcast_in_dim3A_296, %slice3A_291, %broadcast_in_dim3A_297 : vector<8x4096xi1>, vector<8x4096xf32>
      %reduce_sum3A_299 = arith.constant dense<0.000000e+00> : vector<8xf32>
      %reduce_sum3A_300 = vector.multi_reduction <add>, %select_n3A_298, %reduce_sum3A_299 [1] : vector<8x4096xf32> to vector<8xf32>
      %broadcast_in_dim3A_301 = vector.shape_cast %reduce_sum3A_300 : vector<8xf32> to vector<8x1xf32>
      %sub3A_302 = vector.broadcast %broadcast_in_dim3A_301 : vector<8x1xf32> to vector<8x4096xf32>
      %sub3A_303 = arith.subf %slice3A_291, %sub3A_302 : vector<8x4096xf32>
      %integer_pow3A_304 = arith.mulf %sub3A_303, %sub3A_303 : vector<8x4096xf32>
      %reduce_sum3A_305 = arith.constant dense<0.000000e+00> : vector<4096xf32>
      %reduce_sum3A_306 = vector.multi_reduction <add>, %integer_pow3A_304, %reduce_sum3A_305 [0] : vector<8x4096xf32> to vector<4096xf32>
      %broadcast_in_dim3A_307 = vector.shape_cast %reduce_sum3A_306 : vector<4096xf32> to vector<1x4096xf32>
      %min3A_308 = arith.minimumf %scan3A_38, %broadcast_in_dim3A_307 : vector<1x4096xf32>
      %reduce_max3A_309 = vector.shape_cast %min3A_308 : vector<1x4096xf32> to vector<1x1x4096xf32>
      %reduce_max3A_310 = arith.constant dense<0xFF800000> : vector<1xf32>
      %reduce_max3A_311 = vector.multi_reduction <maximumf>, %reduce_max3A_309, %reduce_max3A_310 [1, 2] : vector<1x1x4096xf32> to vector<1xf32>
      %reduce_max3A_312 = vector.shape_cast %reduce_max3A_311 : vector<1xf32> to vector<1x1x1xf32>
      %reduce_max3A_313 = vector.extract %reduce_max3A_312[0, 0, 0] : f32 from vector<1x1x1xf32>
      %eq3A_314 = vector.broadcast %reduce_max3A_313 : f32 to vector<1x4096xf32>
      %eq3A_315 = arith.cmpf oeq, %min3A_308, %eq3A_314 : vector<1x4096xf32>
      %jit3A_316 = arith.constant 4096 : i32
      %broadcast_in_dim3A_317 = vector.broadcast %jit3A_316 : i32 to vector<1x4096xi32>
      %select_n3A_318 = arith.select %eq3A_315, %iota3A, %broadcast_in_dim3A_317 : vector<1x4096xi1>, vector<1x4096xi32>
      %reduce_min3A_319 = vector.shape_cast %select_n3A_318 : vector<1x4096xi32> to vector<1x1x4096xi32>
      %reduce_min3A_320 = arith.constant dense<2147483647> : vector<1xi32>
      %reduce_min3A_321 = vector.multi_reduction <minsi>, %reduce_min3A_319, %reduce_min3A_320 [1, 2] : vector<1x1x4096xi32> to vector<1xi32>
      %reduce_min3A_322 = vector.shape_cast %reduce_min3A_321 : vector<1xi32> to vector<1x1x1xi32>
      %reduce_min3A_323 = vector.extract %reduce_min3A_322[0, 0, 0] : i32 from vector<1x1x1xi32>
      scf.yield %min3A, %min3A_92, %min3A_128, %min3A_164, %min3A_200, %min3A_236, %min3A_272, %min3A_308, %reduce_min3A_71, %reduce_min3A_107, %reduce_min3A_143, %reduce_min3A_179, %reduce_min3A_215, %reduce_min3A_251, %reduce_min3A_287, %reduce_min3A_323 : vector<1x4096xf32>, vector<1x4096xf32>, vector<1x4096xf32>, vector<1x4096xf32>, vector<1x4096xf32>, vector<1x4096xf32>, vector<1x4096xf32>, vector<1x4096xf32>, i32, i32, i32, i32, i32, i32, i32, i32
    }
    %scan3A_29 = arith.constant 512 : i32
    return
  }
}

module attributes {stable_mosaic.version = 14 : i64} {
  func.func @_mlp_pool_body(%arg0: i32, %arg1: i32, %arg2: memref<1x16x128x32xf32, #tpu.memory_space<vmem>>, %arg3: memref<1x128x8xf32, #tpu.memory_space<vmem>>, %arg4: memref<32x32xf32, #tpu.memory_space<vmem>>, %arg5: memref<8x32xf32, #tpu.memory_space<vmem>>, %arg6: memref<1x32xf32, #tpu.memory_space<vmem>>, %arg7: memref<32x32xf32, #tpu.memory_space<vmem>>, %arg8: memref<1x32xf32, #tpu.memory_space<vmem>>, %arg9: memref<32x64xf32, #tpu.memory_space<vmem>>, %arg10: memref<1x64xf32, #tpu.memory_space<vmem>>, %arg11: memref<1x128x64xf32, #tpu.memory_space<vmem>>) attributes {dimension_semantics = [#tpu.dimension_semantics<arbitrary>, #tpu.dimension_semantics<arbitrary>], iteration_bounds = array<i64: 8, 4>, scalar_prefetch = 0 : i64, scratch_operands = 0 : i64, tpu.core_type = #tpu.core_type<tc>, window_params = [{transform_indices = @transform_0, window_bounds = array<i64: 1, 16, 128, 32>}, {transform_indices = @transform_1, window_bounds = array<i64: 1, 128, 8>}, {pipeline_mode = #tpu.pipeline_mode<synchronous>, transform_indices = @transform_2, window_bounds = array<i64: 32, 32>}, {pipeline_mode = #tpu.pipeline_mode<synchronous>, transform_indices = @transform_3, window_bounds = array<i64: 8, 32>}, {pipeline_mode = #tpu.pipeline_mode<synchronous>, transform_indices = @transform_4, window_bounds = array<i64: 1, 32>}, {pipeline_mode = #tpu.pipeline_mode<synchronous>, transform_indices = @transform_5, window_bounds = array<i64: 32, 32>}, {pipeline_mode = #tpu.pipeline_mode<synchronous>, transform_indices = @transform_6, window_bounds = array<i64: 1, 32>}, {pipeline_mode = #tpu.pipeline_mode<synchronous>, transform_indices = @transform_7, window_bounds = array<i64: 32, 64>}, {pipeline_mode = #tpu.pipeline_mode<synchronous>, transform_indices = @transform_8, window_bounds = array<i64: 1, 64>}, {transform_indices = @transform_9, window_bounds = array<i64: 1, 128, 64>}]} {
    %get3A = arith.constant 0 : index
    %get3A_0 = arith.constant 0 : index
    %get3A_1 = arith.constant 0 : index
    %get3A_2 = arith.constant 0 : index
    %get3A_3 = vector.load %arg2[%get3A, %get3A_0, %get3A_1, %get3A_2] : memref<1x16x128x32xf32, #tpu.memory_space<vmem>>, vector<1x16x128x32xf32>
    %get3A_4 = vector.shape_cast %get3A_3 : vector<1x16x128x32xf32> to vector<16x128x32xf32>
    %reshape3A = vector.shape_cast %get3A_4 : vector<16x128x32xf32> to vector<2048x32xf32>
    %get3A_5 = arith.constant 0 : index
    %get3A_6 = arith.constant 0 : index
    %get3A_7 = vector.load %arg4[%get3A_5, %get3A_6] : memref<32x32xf32, #tpu.memory_space<vmem>>, vector<32x32xf32>
    %dot_general3A = arith.constant dense<0.000000e+00> : vector<2048x32xf32>
    %dot_general3A_8 = tpu.matmul %reshape3A, %get3A_7, %dot_general3A {dimension_numbers = #tpu.dot_dimension_numbers<[1], [0], [0], [1], [0, 0, 1, 1], [], []>, transpose_lhs_hint = false} : vector<2048x32xf32>, vector<32x32xf32>, vector<2048x32xf32> -> vector<2048x32xf32>
    %get3A_9 = arith.constant 0 : index
    %get3A_10 = arith.constant 0 : index
    %get3A_11 = arith.constant 0 : index
    %get3A_12 = vector.load %arg3[%get3A_9, %get3A_10, %get3A_11] : memref<1x128x8xf32, #tpu.memory_space<vmem>>, vector<1x128x8xf32>
    %get3A_13 = vector.shape_cast %get3A_12 : vector<1x128x8xf32> to vector<128x8xf32>
    %get3A_14 = arith.constant 0 : index
    %get3A_15 = arith.constant 0 : index
    %get3A_16 = vector.load %arg5[%get3A_14, %get3A_15] : memref<8x32xf32, #tpu.memory_space<vmem>>, vector<8x32xf32>
    %dot_general3A_17 = arith.constant dense<0.000000e+00> : vector<128x32xf32>
    %dot_general3A_18 = tpu.matmul %get3A_13, %get3A_16, %dot_general3A_17 {dimension_numbers = #tpu.dot_dimension_numbers<[1], [0], [0], [1], [0, 0, 1, 1], [], []>, transpose_lhs_hint = false} : vector<128x8xf32>, vector<8x32xf32>, vector<128x32xf32> -> vector<128x32xf32>
    %broadcast_in_dim3A = vector.shape_cast %dot_general3A_18 : vector<128x32xf32> to vector<1x128x32xf32>
    %broadcast_in_dim3A_19 = vector.shape_cast %broadcast_in_dim3A : vector<1x128x32xf32> to vector<1x128x32xf32>
    %broadcast_in_dim3A_20 = vector.broadcast %broadcast_in_dim3A_19 : vector<1x128x32xf32> to vector<16x128x32xf32>
    %reshape3A_21 = vector.shape_cast %broadcast_in_dim3A_20 : vector<16x128x32xf32> to vector<2048x32xf32>
    %sub3A = arith.subf %dot_general3A_8, %reshape3A_21 : vector<2048x32xf32>
    %get3A_22 = arith.constant 0 : index
    %get3A_23 = arith.constant 0 : index
    %get3A_24 = vector.load %arg6[%get3A_22, %get3A_23] : memref<1x32xf32, #tpu.memory_space<vmem>>, vector<1x32xf32>
    %add3A = vector.broadcast %get3A_24 : vector<1x32xf32> to vector<2048x32xf32>
    %add3A_25 = arith.addf %sub3A, %add3A : vector<2048x32xf32>
    %max3A = arith.constant 0.000000e+00 : f32
    %max3A_26 = vector.broadcast %max3A : f32 to vector<2048x32xf32>
    %max3A_27 = arith.maximumf %add3A_25, %max3A_26 : vector<2048x32xf32>
    %get3A_28 = arith.constant 0 : index
    %get3A_29 = arith.constant 0 : index
    %get3A_30 = vector.load %arg7[%get3A_28, %get3A_29] : memref<32x32xf32, #tpu.memory_space<vmem>>, vector<32x32xf32>
    %dot_general3A_31 = arith.constant dense<0.000000e+00> : vector<2048x32xf32>
    %dot_general3A_32 = tpu.matmul %max3A_27, %get3A_30, %dot_general3A_31 {dimension_numbers = #tpu.dot_dimension_numbers<[1], [0], [0], [1], [0, 0, 1, 1], [], []>, transpose_lhs_hint = false} : vector<2048x32xf32>, vector<32x32xf32>, vector<2048x32xf32> -> vector<2048x32xf32>
    %get3A_33 = arith.constant 0 : index
    %get3A_34 = arith.constant 0 : index
    %get3A_35 = vector.load %arg8[%get3A_33, %get3A_34] : memref<1x32xf32, #tpu.memory_space<vmem>>, vector<1x32xf32>
    %add3A_36 = vector.broadcast %get3A_35 : vector<1x32xf32> to vector<2048x32xf32>
    %add3A_37 = arith.addf %dot_general3A_32, %add3A_36 : vector<2048x32xf32>
    %max3A_38 = arith.constant 0.000000e+00 : f32
    %max3A_39 = vector.broadcast %max3A_38 : f32 to vector<2048x32xf32>
    %max3A_40 = arith.maximumf %add3A_37, %max3A_39 : vector<2048x32xf32>
    %get3A_41 = arith.constant 0 : index
    %get3A_42 = arith.constant 0 : index
    %get3A_43 = vector.load %arg9[%get3A_41, %get3A_42] : memref<32x64xf32, #tpu.memory_space<vmem>>, vector<32x64xf32>
    %dot_general3A_44 = arith.constant dense<0.000000e+00> : vector<2048x64xf32>
    %dot_general3A_45 = tpu.matmul %max3A_40, %get3A_43, %dot_general3A_44 {dimension_numbers = #tpu.dot_dimension_numbers<[1], [0], [0], [1], [0, 0, 1, 1], [], []>, transpose_lhs_hint = false} : vector<2048x32xf32>, vector<32x64xf32>, vector<2048x64xf32> -> vector<2048x64xf32>
    %get3A_46 = arith.constant 0 : index
    %get3A_47 = arith.constant 0 : index
    %get3A_48 = vector.load %arg10[%get3A_46, %get3A_47] : memref<1x64xf32, #tpu.memory_space<vmem>>, vector<1x64xf32>
    %add3A_49 = vector.broadcast %get3A_48 : vector<1x64xf32> to vector<2048x64xf32>
    %add3A_50 = arith.addf %dot_general3A_45, %add3A_49 : vector<2048x64xf32>
    %max3A_51 = arith.constant 0.000000e+00 : f32
    %max3A_52 = vector.broadcast %max3A_51 : f32 to vector<2048x64xf32>
    %max3A_53 = arith.maximumf %add3A_50, %max3A_52 : vector<2048x64xf32>
    %reshape3A_54 = vector.shape_cast %max3A_53 : vector<2048x64xf32> to vector<16x128x64xf32>
    %reduce_max3A = arith.constant dense<0xFF800000> : vector<128x64xf32>
    %reduce_max3A_55 = vector.multi_reduction <maximumf>, %reshape3A_54, %reduce_max3A [0] : vector<16x128x64xf32> to vector<128x64xf32>
    %swap3A = arith.constant 0 : index
    %swap3A_56 = arith.constant 0 : index
    %swap3A_57 = arith.constant 0 : index
    %swap3A_58 = vector.load %arg11[%swap3A, %swap3A_56, %swap3A_57] : memref<1x128x64xf32, #tpu.memory_space<vmem>>, vector<1x128x64xf32>
    %swap3A_59 = vector.shape_cast %swap3A_58 : vector<1x128x64xf32> to vector<128x64xf32>
    %swap3A_60 = vector.shape_cast %reduce_max3A_55 : vector<128x64xf32> to vector<1x128x64xf32>
    tpu.vector_store %arg11[%swap3A, %swap3A_56, %swap3A_57], %swap3A_60 {strides = array<i32>} : memref<1x128x64xf32, #tpu.memory_space<vmem>>, vector<1x128x64xf32>,
    return
  }
  func.func @transform_0(%arg0: i32, %arg1: i32) -> (i32, i32, i32, i32) {
    %c0_i32 = arith.constant 0 : i32
    %c0_i32_0 = arith.constant 0 : i32
    %c0_i32_1 = arith.constant 0 : i32
    return %arg0, %c0_i32, %arg1, %c0_i32_0 : i32, i32, i32, i32
  }
  func.func @transform_1(%arg0: i32, %arg1: i32) -> (i32, i32, i32) {
    %c0_i32 = arith.constant 0 : i32
    %c0_i32_0 = arith.constant 0 : i32
    return %arg0, %arg1, %c0_i32 : i32, i32, i32
  }
  func.func @transform_2(%arg0: i32, %arg1: i32) -> (i32, i32) {
    %c0_i32 = arith.constant 0 : i32
    %c0_i32_0 = arith.constant 0 : i32
    %c0_i32_1 = arith.constant 0 : i32
    return %c0_i32, %c0_i32_0 : i32, i32
  }
  func.func @transform_3(%arg0: i32, %arg1: i32) -> (i32, i32) {
    %c0_i32 = arith.constant 0 : i32
    %c0_i32_0 = arith.constant 0 : i32
    %c0_i32_1 = arith.constant 0 : i32
    return %c0_i32, %c0_i32_0 : i32, i32
  }
  func.func @transform_4(%arg0: i32, %arg1: i32) -> (i32, i32) {
    %c0_i32 = arith.constant 0 : i32
    %c0_i32_0 = arith.constant 0 : i32
    %c0_i32_1 = arith.constant 0 : i32
    return %c0_i32, %c0_i32_0 : i32, i32
  }
  func.func @transform_5(%arg0: i32, %arg1: i32) -> (i32, i32) {
    %c0_i32 = arith.constant 0 : i32
    %c0_i32_0 = arith.constant 0 : i32
    %c0_i32_1 = arith.constant 0 : i32
    return %c0_i32, %c0_i32_0 : i32, i32
  }
  func.func @transform_6(%arg0: i32, %arg1: i32) -> (i32, i32) {
    %c0_i32 = arith.constant 0 : i32
    %c0_i32_0 = arith.constant 0 : i32
    %c0_i32_1 = arith.constant 0 : i32
    return %c0_i32, %c0_i32_0 : i32, i32
  }
  func.func @transform_7(%arg0: i32, %arg1: i32) -> (i32, i32) {
    %c0_i32 = arith.constant 0 : i32
    %c0_i32_0 = arith.constant 0 : i32
    %c0_i32_1 = arith.constant 0 : i32
    return %c0_i32, %c0_i32_0 : i32, i32
  }
  func.func @transform_8(%arg0: i32, %arg1: i32) -> (i32, i32) {
    %c0_i32 = arith.constant 0 : i32
    %c0_i32_0 = arith.constant 0 : i32
    %c0_i32_1 = arith.constant 0 : i32
    return %c0_i32, %c0_i32_0 : i32, i32
  }
  func.func @transform_9(%arg0: i32, %arg1: i32) -> (i32, i32, i32) {
    %c0_i32 = arith.constant 0 : i32
    %c0_i32_0 = arith.constant 0 : i32
    return %arg0, %arg1, %c0_i32 : i32, i32, i32
  }
}

module attributes {stable_mosaic.version = 14 : i64} {
  func.func @_mlp_pool_body(%arg0: i32, %arg1: i32, %arg2: memref<1x32x128x32xf32, #tpu.memory_space<vmem>>, %arg3: memref<1x128x8xf32, #tpu.memory_space<vmem>>, %arg4: memref<32x64xf32, #tpu.memory_space<vmem>>, %arg5: memref<8x64xf32, #tpu.memory_space<vmem>>, %arg6: memref<1x64xf32, #tpu.memory_space<vmem>>, %arg7: memref<64x64xf32, #tpu.memory_space<vmem>>, %arg8: memref<1x64xf32, #tpu.memory_space<vmem>>, %arg9: memref<64x128xf32, #tpu.memory_space<vmem>>, %arg10: memref<1x128xf32, #tpu.memory_space<vmem>>, %arg11: memref<1x128x128xf32, #tpu.memory_space<vmem>>) attributes {dimension_semantics = [#tpu.dimension_semantics<arbitrary>, #tpu.dimension_semantics<arbitrary>], iteration_bounds = array<i64: 8, 4>, scalar_prefetch = 0 : i64, scratch_operands = 0 : i64, tpu.core_type = #tpu.core_type<tc>, window_params = [{transform_indices = @transform_0, window_bounds = array<i64: 1, 32, 128, 32>}, {transform_indices = @transform_1, window_bounds = array<i64: 1, 128, 8>}, {pipeline_mode = #tpu.pipeline_mode<synchronous>, transform_indices = @transform_2, window_bounds = array<i64: 32, 64>}, {pipeline_mode = #tpu.pipeline_mode<synchronous>, transform_indices = @transform_3, window_bounds = array<i64: 8, 64>}, {pipeline_mode = #tpu.pipeline_mode<synchronous>, transform_indices = @transform_4, window_bounds = array<i64: 1, 64>}, {pipeline_mode = #tpu.pipeline_mode<synchronous>, transform_indices = @transform_5, window_bounds = array<i64: 64, 64>}, {pipeline_mode = #tpu.pipeline_mode<synchronous>, transform_indices = @transform_6, window_bounds = array<i64: 1, 64>}, {pipeline_mode = #tpu.pipeline_mode<synchronous>, transform_indices = @transform_7, window_bounds = array<i64: 64, 128>}, {pipeline_mode = #tpu.pipeline_mode<synchronous>, transform_indices = @transform_8, window_bounds = array<i64: 1, 128>}, {transform_indices = @transform_9, window_bounds = array<i64: 1, 128, 128>}]} {
    %get3A = arith.constant 0 : index
    %get3A_0 = arith.constant 0 : index
    %get3A_1 = arith.constant 0 : index
    %get3A_2 = arith.constant 0 : index
    %get3A_3 = vector.load %arg2[%get3A, %get3A_0, %get3A_1, %get3A_2] : memref<1x32x128x32xf32, #tpu.memory_space<vmem>>, vector<1x32x128x32xf32>
    %get3A_4 = vector.shape_cast %get3A_3 : vector<1x32x128x32xf32> to vector<32x128x32xf32>
    %reshape3A = vector.shape_cast %get3A_4 : vector<32x128x32xf32> to vector<4096x32xf32>
    %get3A_5 = arith.constant 0 : index
    %get3A_6 = arith.constant 0 : index
    %get3A_7 = vector.load %arg4[%get3A_5, %get3A_6] : memref<32x64xf32, #tpu.memory_space<vmem>>, vector<32x64xf32>
    %dot_general3A = arith.constant dense<0.000000e+00> : vector<4096x64xf32>
    %dot_general3A_8 = tpu.matmul %reshape3A, %get3A_7, %dot_general3A {dimension_numbers = #tpu.dot_dimension_numbers<[1], [0], [0], [1], [0, 0, 1, 1], [], []>, transpose_lhs_hint = false} : vector<4096x32xf32>, vector<32x64xf32>, vector<4096x64xf32> -> vector<4096x64xf32>
    %get3A_9 = arith.constant 0 : index
    %get3A_10 = arith.constant 0 : index
    %get3A_11 = arith.constant 0 : index
    %get3A_12 = vector.load %arg3[%get3A_9, %get3A_10, %get3A_11] : memref<1x128x8xf32, #tpu.memory_space<vmem>>, vector<1x128x8xf32>
    %get3A_13 = vector.shape_cast %get3A_12 : vector<1x128x8xf32> to vector<128x8xf32>
    %get3A_14 = arith.constant 0 : index
    %get3A_15 = arith.constant 0 : index
    %get3A_16 = vector.load %arg5[%get3A_14, %get3A_15] : memref<8x64xf32, #tpu.memory_space<vmem>>, vector<8x64xf32>
    %dot_general3A_17 = arith.constant dense<0.000000e+00> : vector<128x64xf32>
    %dot_general3A_18 = tpu.matmul %get3A_13, %get3A_16, %dot_general3A_17 {dimension_numbers = #tpu.dot_dimension_numbers<[1], [0], [0], [1], [0, 0, 1, 1], [], []>, transpose_lhs_hint = false} : vector<128x8xf32>, vector<8x64xf32>, vector<128x64xf32> -> vector<128x64xf32>
    %broadcast_in_dim3A = vector.shape_cast %dot_general3A_18 : vector<128x64xf32> to vector<1x128x64xf32>
    %broadcast_in_dim3A_19 = vector.shape_cast %broadcast_in_dim3A : vector<1x128x64xf32> to vector<1x128x64xf32>
    %broadcast_in_dim3A_20 = vector.broadcast %broadcast_in_dim3A_19 : vector<1x128x64xf32> to vector<32x128x64xf32>
    %reshape3A_21 = vector.shape_cast %broadcast_in_dim3A_20 : vector<32x128x64xf32> to vector<4096x64xf32>
    %sub3A = arith.subf %dot_general3A_8, %reshape3A_21 : vector<4096x64xf32>
    %get3A_22 = arith.constant 0 : index
    %get3A_23 = arith.constant 0 : index
    %get3A_24 = vector.load %arg6[%get3A_22, %get3A_23] : memref<1x64xf32, #tpu.memory_space<vmem>>, vector<1x64xf32>
    %add3A = vector.broadcast %get3A_24 : vector<1x64xf32> to vector<4096x64xf32>
    %add3A_25 = arith.addf %sub3A, %add3A : vector<4096x64xf32>
    %max3A = arith.constant 0.000000e+00 : f32
    %max3A_26 = vector.broadcast %max3A : f32 to vector<4096x64xf32>
    %max3A_27 = arith.maximumf %add3A_25, %max3A_26 : vector<4096x64xf32>
    %get3A_28 = arith.constant 0 : index
    %get3A_29 = arith.constant 0 : index
    %get3A_30 = vector.load %arg7[%get3A_28, %get3A_29] : memref<64x64xf32, #tpu.memory_space<vmem>>, vector<64x64xf32>
    %dot_general3A_31 = arith.constant dense<0.000000e+00> : vector<4096x64xf32>
    %dot_general3A_32 = tpu.matmul %max3A_27, %get3A_30, %dot_general3A_31 {dimension_numbers = #tpu.dot_dimension_numbers<[1], [0], [0], [1], [0, 0, 1, 1], [], []>, transpose_lhs_hint = false} : vector<4096x64xf32>, vector<64x64xf32>, vector<4096x64xf32> -> vector<4096x64xf32>
    %get3A_33 = arith.constant 0 : index
    %get3A_34 = arith.constant 0 : index
    %get3A_35 = vector.load %arg8[%get3A_33, %get3A_34] : memref<1x64xf32, #tpu.memory_space<vmem>>, vector<1x64xf32>
    %add3A_36 = vector.broadcast %get3A_35 : vector<1x64xf32> to vector<4096x64xf32>
    %add3A_37 = arith.addf %dot_general3A_32, %add3A_36 : vector<4096x64xf32>
    %max3A_38 = arith.constant 0.000000e+00 : f32
    %max3A_39 = vector.broadcast %max3A_38 : f32 to vector<4096x64xf32>
    %max3A_40 = arith.maximumf %add3A_37, %max3A_39 : vector<4096x64xf32>
    %get3A_41 = arith.constant 0 : index
    %get3A_42 = arith.constant 0 : index
    %get3A_43 = vector.load %arg9[%get3A_41, %get3A_42] : memref<64x128xf32, #tpu.memory_space<vmem>>, vector<64x128xf32>
    %dot_general3A_44 = arith.constant dense<0.000000e+00> : vector<4096x128xf32>
    %dot_general3A_45 = tpu.matmul %max3A_40, %get3A_43, %dot_general3A_44 {dimension_numbers = #tpu.dot_dimension_numbers<[1], [0], [0], [1], [0, 0, 1, 1], [], []>, transpose_lhs_hint = false} : vector<4096x64xf32>, vector<64x128xf32>, vector<4096x128xf32> -> vector<4096x128xf32>
    %get3A_46 = arith.constant 0 : index
    %get3A_47 = arith.constant 0 : index
    %get3A_48 = vector.load %arg10[%get3A_46, %get3A_47] : memref<1x128xf32, #tpu.memory_space<vmem>>, vector<1x128xf32>
    %add3A_49 = vector.broadcast %get3A_48 : vector<1x128xf32> to vector<4096x128xf32>
    %add3A_50 = arith.addf %dot_general3A_45, %add3A_49 : vector<4096x128xf32>
    %max3A_51 = arith.constant 0.000000e+00 : f32
    %max3A_52 = vector.broadcast %max3A_51 : f32 to vector<4096x128xf32>
    %max3A_53 = arith.maximumf %add3A_50, %max3A_52 : vector<4096x128xf32>
    %reshape3A_54 = vector.shape_cast %max3A_53 : vector<4096x128xf32> to vector<32x128x128xf32>
    %reduce_max3A = arith.constant dense<0xFF800000> : vector<128x128xf32>
    %reduce_max3A_55 = vector.multi_reduction <maximumf>, %reshape3A_54, %reduce_max3A [0] : vector<32x128x128xf32> to vector<128x128xf32>
    %swap3A = arith.constant 0 : index
    %swap3A_56 = arith.constant 0 : index
    %swap3A_57 = arith.constant 0 : index
    %swap3A_58 = vector.load %arg11[%swap3A, %swap3A_56, %swap3A_57] : memref<1x128x128xf32, #tpu.memory_space<vmem>>, vector<1x128x128xf32>
    %swap3A_59 = vector.shape_cast %swap3A_58 : vector<1x128x128xf32> to vector<128x128xf32>
    %swap3A_60 = vector.shape_cast %reduce_max3A_55 : vector<128x128xf32> to vector<1x128x128xf32>
    tpu.vector_store %arg11[%swap3A, %swap3A_56, %swap3A_57], %swap3A_60 {strides = array<i32>} : memref<1x128x128xf32, #tpu.memory_space<vmem>>, vector<1x128x128xf32>,
    return
  }
  func.func @transform_0(%arg0: i32, %arg1: i32) -> (i32, i32, i32, i32) {
    %c0_i32 = arith.constant 0 : i32
    %c0_i32_0 = arith.constant 0 : i32
    %c0_i32_1 = arith.constant 0 : i32
    return %arg0, %c0_i32, %arg1, %c0_i32_0 : i32, i32, i32, i32
  }
  func.func @transform_1(%arg0: i32, %arg1: i32) -> (i32, i32, i32) {
    %c0_i32 = arith.constant 0 : i32
    %c0_i32_0 = arith.constant 0 : i32
    return %arg0, %arg1, %c0_i32 : i32, i32, i32
  }
  func.func @transform_2(%arg0: i32, %arg1: i32) -> (i32, i32) {
    %c0_i32 = arith.constant 0 : i32
    %c0_i32_0 = arith.constant 0 : i32
    %c0_i32_1 = arith.constant 0 : i32
    return %c0_i32, %c0_i32_0 : i32, i32
  }
  func.func @transform_3(%arg0: i32, %arg1: i32) -> (i32, i32) {
    %c0_i32 = arith.constant 0 : i32
    %c0_i32_0 = arith.constant 0 : i32
    %c0_i32_1 = arith.constant 0 : i32
    return %c0_i32, %c0_i32_0 : i32, i32
  }
  func.func @transform_4(%arg0: i32, %arg1: i32) -> (i32, i32) {
    %c0_i32 = arith.constant 0 : i32
    %c0_i32_0 = arith.constant 0 : i32
    %c0_i32_1 = arith.constant 0 : i32
    return %c0_i32, %c0_i32_0 : i32, i32
  }
  func.func @transform_5(%arg0: i32, %arg1: i32) -> (i32, i32) {
    %c0_i32 = arith.constant 0 : i32
    %c0_i32_0 = arith.constant 0 : i32
    %c0_i32_1 = arith.constant 0 : i32
    return %c0_i32, %c0_i32_0 : i32, i32
  }
  func.func @transform_6(%arg0: i32, %arg1: i32) -> (i32, i32) {
    %c0_i32 = arith.constant 0 : i32
    %c0_i32_0 = arith.constant 0 : i32
    %c0_i32_1 = arith.constant 0 : i32
    return %c0_i32, %c0_i32_0 : i32, i32
  }
  func.func @transform_7(%arg0: i32, %arg1: i32) -> (i32, i32) {
    %c0_i32 = arith.constant 0 : i32
    %c0_i32_0 = arith.constant 0 : i32
    %c0_i32_1 = arith.constant 0 : i32
    return %c0_i32, %c0_i32_0 : i32, i32
  }
  func.func @transform_8(%arg0: i32, %arg1: i32) -> (i32, i32) {
    %c0_i32 = arith.constant 0 : i32
    %c0_i32_0 = arith.constant 0 : i32
    %c0_i32_1 = arith.constant 0 : i32
    return %c0_i32, %c0_i32_0 : i32, i32
  }
  func.func @transform_9(%arg0: i32, %arg1: i32) -> (i32, i32, i32) {
    %c0_i32 = arith.constant 0 : i32
    %c0_i32_0 = arith.constant 0 : i32
    return %arg0, %arg1, %c0_i32 : i32, i32, i32
  }
}

module attributes {stable_mosaic.version = 14 : i64} {
  func.func @_mlp_pool_body(%arg0: i32, %arg1: i32, %arg2: memref<1x64x128x32xf32, #tpu.memory_space<vmem>>, %arg3: memref<1x128x8xf32, #tpu.memory_space<vmem>>, %arg4: memref<32x64xf32, #tpu.memory_space<vmem>>, %arg5: memref<8x64xf32, #tpu.memory_space<vmem>>, %arg6: memref<1x64xf32, #tpu.memory_space<vmem>>, %arg7: memref<64x96xf32, #tpu.memory_space<vmem>>, %arg8: memref<1x96xf32, #tpu.memory_space<vmem>>, %arg9: memref<96x128xf32, #tpu.memory_space<vmem>>, %arg10: memref<1x128xf32, #tpu.memory_space<vmem>>, %arg11: memref<1x128x128xf32, #tpu.memory_space<vmem>>) attributes {dimension_semantics = [#tpu.dimension_semantics<arbitrary>, #tpu.dimension_semantics<arbitrary>], iteration_bounds = array<i64: 8, 4>, scalar_prefetch = 0 : i64, scratch_operands = 0 : i64, tpu.core_type = #tpu.core_type<tc>, window_params = [{transform_indices = @transform_0, window_bounds = array<i64: 1, 64, 128, 32>}, {transform_indices = @transform_1, window_bounds = array<i64: 1, 128, 8>}, {pipeline_mode = #tpu.pipeline_mode<synchronous>, transform_indices = @transform_2, window_bounds = array<i64: 32, 64>}, {pipeline_mode = #tpu.pipeline_mode<synchronous>, transform_indices = @transform_3, window_bounds = array<i64: 8, 64>}, {pipeline_mode = #tpu.pipeline_mode<synchronous>, transform_indices = @transform_4, window_bounds = array<i64: 1, 64>}, {pipeline_mode = #tpu.pipeline_mode<synchronous>, transform_indices = @transform_5, window_bounds = array<i64: 64, 96>}, {pipeline_mode = #tpu.pipeline_mode<synchronous>, transform_indices = @transform_6, window_bounds = array<i64: 1, 96>}, {pipeline_mode = #tpu.pipeline_mode<synchronous>, transform_indices = @transform_7, window_bounds = array<i64: 96, 128>}, {pipeline_mode = #tpu.pipeline_mode<synchronous>, transform_indices = @transform_8, window_bounds = array<i64: 1, 128>}, {transform_indices = @transform_9, window_bounds = array<i64: 1, 128, 128>}]} {
    %get3A = arith.constant 0 : index
    %get3A_0 = arith.constant 0 : index
    %get3A_1 = arith.constant 0 : index
    %get3A_2 = arith.constant 0 : index
    %get3A_3 = vector.load %arg2[%get3A, %get3A_0, %get3A_1, %get3A_2] : memref<1x64x128x32xf32, #tpu.memory_space<vmem>>, vector<1x64x128x32xf32>
    %get3A_4 = vector.shape_cast %get3A_3 : vector<1x64x128x32xf32> to vector<64x128x32xf32>
    %reshape3A = vector.shape_cast %get3A_4 : vector<64x128x32xf32> to vector<8192x32xf32>
    %get3A_5 = arith.constant 0 : index
    %get3A_6 = arith.constant 0 : index
    %get3A_7 = vector.load %arg4[%get3A_5, %get3A_6] : memref<32x64xf32, #tpu.memory_space<vmem>>, vector<32x64xf32>
    %dot_general3A = arith.constant dense<0.000000e+00> : vector<8192x64xf32>
    %dot_general3A_8 = tpu.matmul %reshape3A, %get3A_7, %dot_general3A {dimension_numbers = #tpu.dot_dimension_numbers<[1], [0], [0], [1], [0, 0, 1, 1], [], []>, transpose_lhs_hint = false} : vector<8192x32xf32>, vector<32x64xf32>, vector<8192x64xf32> -> vector<8192x64xf32>
    %get3A_9 = arith.constant 0 : index
    %get3A_10 = arith.constant 0 : index
    %get3A_11 = arith.constant 0 : index
    %get3A_12 = vector.load %arg3[%get3A_9, %get3A_10, %get3A_11] : memref<1x128x8xf32, #tpu.memory_space<vmem>>, vector<1x128x8xf32>
    %get3A_13 = vector.shape_cast %get3A_12 : vector<1x128x8xf32> to vector<128x8xf32>
    %get3A_14 = arith.constant 0 : index
    %get3A_15 = arith.constant 0 : index
    %get3A_16 = vector.load %arg5[%get3A_14, %get3A_15] : memref<8x64xf32, #tpu.memory_space<vmem>>, vector<8x64xf32>
    %dot_general3A_17 = arith.constant dense<0.000000e+00> : vector<128x64xf32>
    %dot_general3A_18 = tpu.matmul %get3A_13, %get3A_16, %dot_general3A_17 {dimension_numbers = #tpu.dot_dimension_numbers<[1], [0], [0], [1], [0, 0, 1, 1], [], []>, transpose_lhs_hint = false} : vector<128x8xf32>, vector<8x64xf32>, vector<128x64xf32> -> vector<128x64xf32>
    %broadcast_in_dim3A = vector.shape_cast %dot_general3A_18 : vector<128x64xf32> to vector<1x128x64xf32>
    %broadcast_in_dim3A_19 = vector.shape_cast %broadcast_in_dim3A : vector<1x128x64xf32> to vector<1x128x64xf32>
    %broadcast_in_dim3A_20 = vector.broadcast %broadcast_in_dim3A_19 : vector<1x128x64xf32> to vector<64x128x64xf32>
    %reshape3A_21 = vector.shape_cast %broadcast_in_dim3A_20 : vector<64x128x64xf32> to vector<8192x64xf32>
    %sub3A = arith.subf %dot_general3A_8, %reshape3A_21 : vector<8192x64xf32>
    %get3A_22 = arith.constant 0 : index
    %get3A_23 = arith.constant 0 : index
    %get3A_24 = vector.load %arg6[%get3A_22, %get3A_23] : memref<1x64xf32, #tpu.memory_space<vmem>>, vector<1x64xf32>
    %add3A = vector.broadcast %get3A_24 : vector<1x64xf32> to vector<8192x64xf32>
    %add3A_25 = arith.addf %sub3A, %add3A : vector<8192x64xf32>
    %max3A = arith.constant 0.000000e+00 : f32
    %max3A_26 = vector.broadcast %max3A : f32 to vector<8192x64xf32>
    %max3A_27 = arith.maximumf %add3A_25, %max3A_26 : vector<8192x64xf32>
    %get3A_28 = arith.constant 0 : index
    %get3A_29 = arith.constant 0 : index
    %get3A_30 = vector.load %arg7[%get3A_28, %get3A_29] : memref<64x96xf32, #tpu.memory_space<vmem>>, vector<64x96xf32>
    %dot_general3A_31 = arith.constant dense<0.000000e+00> : vector<8192x96xf32>
    %dot_general3A_32 = tpu.matmul %max3A_27, %get3A_30, %dot_general3A_31 {dimension_numbers = #tpu.dot_dimension_numbers<[1], [0], [0], [1], [0, 0, 1, 1], [], []>, transpose_lhs_hint = false} : vector<8192x64xf32>, vector<64x96xf32>, vector<8192x96xf32> -> vector<8192x96xf32>
    %get3A_33 = arith.constant 0 : index
    %get3A_34 = arith.constant 0 : index
    %get3A_35 = vector.load %arg8[%get3A_33, %get3A_34] : memref<1x96xf32, #tpu.memory_space<vmem>>, vector<1x96xf32>
    %add3A_36 = vector.broadcast %get3A_35 : vector<1x96xf32> to vector<8192x96xf32>
    %add3A_37 = arith.addf %dot_general3A_32, %add3A_36 : vector<8192x96xf32>
    %max3A_38 = arith.constant 0.000000e+00 : f32
    %max3A_39 = vector.broadcast %max3A_38 : f32 to vector<8192x96xf32>
    %max3A_40 = arith.maximumf %add3A_37, %max3A_39 : vector<8192x96xf32>
    %get3A_41 = arith.constant 0 : index
    %get3A_42 = arith.constant 0 : index
    %get3A_43 = vector.load %arg9[%get3A_41, %get3A_42] : memref<96x128xf32, #tpu.memory_space<vmem>>, vector<96x128xf32>
    %dot_general3A_44 = arith.constant dense<0.000000e+00> : vector<8192x128xf32>
    %dot_general3A_45 = tpu.matmul %max3A_40, %get3A_43, %dot_general3A_44 {dimension_numbers = #tpu.dot_dimension_numbers<[1], [0], [0], [1], [0, 0, 1, 1], [], []>, transpose_lhs_hint = false} : vector<8192x96xf32>, vector<96x128xf32>, vector<8192x128xf32> -> vector<8192x128xf32>
    %get3A_46 = arith.constant 0 : index
    %get3A_47 = arith.constant 0 : index
    %get3A_48 = vector.load %arg10[%get3A_46, %get3A_47] : memref<1x128xf32, #tpu.memory_space<vmem>>, vector<1x128xf32>
    %add3A_49 = vector.broadcast %get3A_48 : vector<1x128xf32> to vector<8192x128xf32>
    %add3A_50 = arith.addf %dot_general3A_45, %add3A_49 : vector<8192x128xf32>
    %max3A_51 = arith.constant 0.000000e+00 : f32
    %max3A_52 = vector.broadcast %max3A_51 : f32 to vector<8192x128xf32>
    %max3A_53 = arith.maximumf %add3A_50, %max3A_52 : vector<8192x128xf32>
    %reshape3A_54 = vector.shape_cast %max3A_53 : vector<8192x128xf32> to vector<64x128x128xf32>
    %reduce_max3A = arith.constant dense<0xFF800000> : vector<128x128xf32>
    %reduce_max3A_55 = vector.multi_reduction <maximumf>, %reshape3A_54, %reduce_max3A [0] : vector<64x128x128xf32> to vector<128x128xf32>
    %swap3A = arith.constant 0 : index
    %swap3A_56 = arith.constant 0 : index
    %swap3A_57 = arith.constant 0 : index
    %swap3A_58 = vector.load %arg11[%swap3A, %swap3A_56, %swap3A_57] : memref<1x128x128xf32, #tpu.memory_space<vmem>>, vector<1x128x128xf32>
    %swap3A_59 = vector.shape_cast %swap3A_58 : vector<1x128x128xf32> to vector<128x128xf32>
    %swap3A_60 = vector.shape_cast %reduce_max3A_55 : vector<128x128xf32> to vector<1x128x128xf32>
    tpu.vector_store %arg11[%swap3A, %swap3A_56, %swap3A_57], %swap3A_60 {strides = array<i32>} : memref<1x128x128xf32, #tpu.memory_space<vmem>>, vector<1x128x128xf32>,
    return
  }
  func.func @transform_0(%arg0: i32, %arg1: i32) -> (i32, i32, i32, i32) {
    %c0_i32 = arith.constant 0 : i32
    %c0_i32_0 = arith.constant 0 : i32
    %c0_i32_1 = arith.constant 0 : i32
    return %arg0, %c0_i32, %arg1, %c0_i32_0 : i32, i32, i32, i32
  }
  func.func @transform_1(%arg0: i32, %arg1: i32) -> (i32, i32, i32) {
    %c0_i32 = arith.constant 0 : i32
    %c0_i32_0 = arith.constant 0 : i32
    return %arg0, %arg1, %c0_i32 : i32, i32, i32
  }
  func.func @transform_2(%arg0: i32, %arg1: i32) -> (i32, i32) {
    %c0_i32 = arith.constant 0 : i32
    %c0_i32_0 = arith.constant 0 : i32
    %c0_i32_1 = arith.constant 0 : i32
    return %c0_i32, %c0_i32_0 : i32, i32
  }
  func.func @transform_3(%arg0: i32, %arg1: i32) -> (i32, i32) {
    %c0_i32 = arith.constant 0 : i32
    %c0_i32_0 = arith.constant 0 : i32
    %c0_i32_1 = arith.constant 0 : i32
    return %c0_i32, %c0_i32_0 : i32, i32
  }
  func.func @transform_4(%arg0: i32, %arg1: i32) -> (i32, i32) {
    %c0_i32 = arith.constant 0 : i32
    %c0_i32_0 = arith.constant 0 : i32
    %c0_i32_1 = arith.constant 0 : i32
    return %c0_i32, %c0_i32_0 : i32, i32
  }
  func.func @transform_5(%arg0: i32, %arg1: i32) -> (i32, i32) {
    %c0_i32 = arith.constant 0 : i32
    %c0_i32_0 = arith.constant 0 : i32
    %c0_i32_1 = arith.constant 0 : i32
    return %c0_i32, %c0_i32_0 : i32, i32
  }
  func.func @transform_6(%arg0: i32, %arg1: i32) -> (i32, i32) {
    %c0_i32 = arith.constant 0 : i32
    %c0_i32_0 = arith.constant 0 : i32
    %c0_i32_1 = arith.constant 0 : i32
    return %c0_i32, %c0_i32_0 : i32, i32
  }
  func.func @transform_7(%arg0: i32, %arg1: i32) -> (i32, i32) {
    %c0_i32 = arith.constant 0 : i32
    %c0_i32_0 = arith.constant 0 : i32
    %c0_i32_1 = arith.constant 0 : i32
    return %c0_i32, %c0_i32_0 : i32, i32
  }
  func.func @transform_8(%arg0: i32, %arg1: i32) -> (i32, i32) {
    %c0_i32 = arith.constant 0 : i32
    %c0_i32_0 = arith.constant 0 : i32
    %c0_i32_1 = arith.constant 0 : i32
    return %c0_i32, %c0_i32_0 : i32, i32
  }
  func.func @transform_9(%arg0: i32, %arg1: i32) -> (i32, i32, i32) {
    %c0_i32 = arith.constant 0 : i32
    %c0_i32_0 = arith.constant 0 : i32
    return %arg0, %arg1, %c0_i32 : i32, i32, i32
  }
}

</mosaic_0001>

<sc_bundles>
// kernel: gather_offload_async_start
scs
__scs_entry_jumppad:
0x0: {  	(pc) =	sbr.rel $0x88, $3  }
0x1: {  	(tag) =	ssettag $0x0;
	lr =	simm.s32 $0x1  }
0x2: {  	[smem:$0x3F7B] =	sst lr;
	_ =	strace $0xD0000000  }
0x3: {  	_ = 	snop  }
0x4: {  	_ = 	snop  }
0x5: {  	_ = 	snop  }
0x6: {  	_ = 	snop  }
0x7: {  	_ = 	snop  }
__scs_overlays_trampoline_lowered:
0x8: {  	[smem:$0x3F8A] =	sst s0  }
0x9: {  	[smem:$0x3F8B] =	sst s1  }
0xa: {  	[smem:$0x3F8C] =	sst s2  }
0xb: {  	[smem:$0x3F8D] =	sst s3  }
0xc: {  	[smem:$0x3F8E] =	sst s4  }
0xd: {  	[smem:$0x3F8F] =	sst s5  }
0xe: {  	[smem:$0x3F90] =	sst s6  }
0xf: {  	[smem:$0x3F91] =	sst s7  }
0x10: {  	[smem:$0x3F92] =	sst s8  }
0x11: {  	[smem:$0x3F93] =	sst s9;
	s0 =	simm.s32 @!p0 $0x0  }
0x12: {  	s1 =	sld [smem:$0x3F79];
	s0 =	simm.s32 @p0 $0x1  }
0x13: {  	[smem:$0x3F94] =	sst s0;
	s0 =	simm.s32 @!p1 $0x0  }
0x14: {  	s2 =	sld [smem:$0x3F78];
	s0 =	simm.s32 @p1 $0x1  }
0x15: {  	[smem:$0x3F95] =	sst s0;
	s0 =	simm.s32 @!p2 $0x0  }
0x16: {  	s3 =	sld [smem:$0x3FDB];
	s0 =	simm.s32 @p2 $0x1  }
0x17: {  	s4 =	simm.s32 $0x1BF5;
	[smem:$0x3F97] =	sst s0  }
0x18: {  	s0 =	sld [smem:$0x3F7A];
	_ =	swait.ge [sflag:s4], $0x0  }
0x19: {  	s7 =	sld [smem:$0x3F7B]  }
0x1a: {  	s8 =	sadd.s32 $0xFFFFE003, lr  }
0x1b: {  	s9 =	sadd.s32 $0xFFFFFEF7, lr;
	s5 =	simm.s32 $0xFFFFFFFF;
	p2 =	slt.u32 s8, $0xFFFFF086  }
0x1c: {  	p1 =	slt.u32 s9, $0xF7A;
	s5 =	simm.s32 @!p2 $0x0  }
0x1d: {  	s5 =	simm.s32 @p1 $0x1;
	p0 =	seq.s32 s7, s2  }
0x1e: {  	s7 =	smul.u32 @!p0 $0xF7A, s2;
	p2 =	seq.s32 @!p0 s5, $0x0  }
0x1f: {  	s9 =	smul.u32 $0xF7A, s1;
	s8 =	simm.s32 @!p0 $0x1BF5;
	p2 =	por !p2, p0  }
0x20: {  	[sflag:s8] =	ssyncset.s32 @!p0 $0xFFFFF086;
	s6 =	sadd.s32 @!p0 s3, s7;
	s7 =	simm.s32 @!p0 $0x108  }
0x21: {  	s3 =	sadd.s32 s3, s9;
	s6 =	sadd.s32 @!p0 $0x88, s6;
	s7 =	simm.s32 @p2 $0x1082  }
0x22: {  	[simem:s7], [sflag:s8] =	dma.local @!p0 [hbm:s6], $0xF7A  }
0x23: {  	s9 =	sor.u32 $0xD0000000, s2;
	s6 =	simm.s32 $0x108;
	_ =	swait.ge @!p0 [sflag:s8], $0x0  }
0x24: {  	s3 =	sadd.s32 $0x88, s3;
	s6 =	simm.s32 @!p1 $0x1082;
	[sflag:s4] =	ssyncset.s32 $0xFFFFF086  }
0x25: {  	[simem:s6], [sflag:s4] =	dma.local [hbm:s3], $0xF7A  }
0x26: {  	[smem:$0x3F7B] =	sst s1;
	(tag) =	ssettag s2;
	_ =	strace s9  }
0x27: {  	s1 =	sld [smem:$0x3F8B]  }
0x28: {  	s2 =	sld [smem:$0x3F8C]  }
0x29: {  	s4 =	sld [smem:$0x3F8E]  }
0x2a: {  	p0 =	seq.s32 s5, $0x0;
	s5 =	sld [smem:$0x3F8F]  }
0x2b: {  	s6 =	sld [smem:$0x3F90]  }
0x2c: {  	s7 =	sld [smem:$0x3F91]  }
0x2d: {  	s3 =	simm.s32 $0x108;
	s8 =	sld [smem:$0x3F92]  }
0x2e: {  	s3 =	simm.s32 @!p0 $0x1082;
	s9 =	sld [smem:$0x3F93]  }
0x2f: {  	lr =	sadd.s32 s0, s3;
	s0 =	sld [smem:$0x3F8A]  }
0x30: {  	s3 =	sld [smem:$0x3F8D]  }
0x31: {  	[smem:$0x3F96] =	sst s10  }
0x32: {  	s10 =	sld [smem:$0x3F94];
	_ =	sdelay $0x3  }
0x33: {  	p0 =	seq.s32 s10, $0x1;
	s10 =	sld [smem:$0x3F96];
	_ =	sdelay $0x3  }
0x34: {  	[smem:$0x3F96] =	sst s10  }
0x35: {  	s10 =	sld [smem:$0x3F95];
	_ =	sdelay $0x3  }
0x36: {  	p1 =	seq.s32 s10, $0x1;
	s10 =	sld [smem:$0x3F96];
	_ =	sdelay $0x3  }
0x37: {  	[smem:$0x3F96] =	sst s10  }
0x38: {  	s10 =	sld [smem:$0x3F97]  }
0x39: {  	_ = 	snop;
	(pc) =	sbr.ind lr, $3  }
0x3a: {  	_ = 	snop  }
0x3b: {  	_ = 	snop  }
0x3c: {  	p2 =	seq.s32 s10, $0x1;
	s10 =	sld [smem:$0x3F96]  }
0x3d: {  	_ =	shalt  }
0x3e: {  	_ =	shalt  }
0x3f: {  	_ =	shalt  }
0x40: {  	_ =	shalt  }
0x41: {  	_ =	shalt  }
0x42: {  	_ =	shalt  }
0x43: {  	_ =	shalt  }
0x44: {  	_ =	shalt  }
0x45: {  	_ =	shalt  }
0x46: {  	_ =	shalt  }
0x47: {  	_ =	shalt  }
0x48: {  	_ =	shalt  }
0x49: {  	_ =	shalt  }
0x4a: {  	_ =	shalt  }
0x4b: {  	_ =	shalt  }
0x4c: {  	_ =	shalt  }
0x4d: {  	_ =	shalt  }
0x4e: {  	_ =	shalt  }
0x4f: {  	_ =	shalt  }
0x50: {  	_ =	shalt  }
0x51: {  	_ =	shalt  }
0x52: {  	_ =	shalt  }
0x53: {  	_ =	shalt  }
0x54: {  	_ =	shalt  }
0x55: {  	_ =	shalt  }
0x56: {  	_ =	shalt  }
0x57: {  	_ =	shalt  }
0x58: {  	_ =	shalt  }
0x59: {  	_ =	shalt  }
0x5a: {  	_ =	shalt  }
0x5b: {  	_ =	shalt  }
0x5c: {  	_ =	shalt  }
0x5d: {  	_ =	shalt  }
0x5e: {  	_ =	shalt  }
0x5f: {  	_ =	shalt  }
0x60: {  	_ =	shalt  }
0x61: {  	_ =	shalt  }
0x62: {  	_ =	shalt  }
0x63: {  	_ =	shalt  }
0x64: {  	_ =	shalt  }
0x65: {  	_ =	shalt  }
0x66: {  	_ =	shalt  }
0x67: {  	_ =	shalt  }
0x68: {  	_ =	shalt  }
0x69: {  	_ =	shalt  }
0x6a: {  	_ =	shalt  }
0x6b: {  	_ =	shalt  }
0x6c: {  	_ =	shalt  }
0x6d: {  	_ =	shalt  }
0x6e: {  	_ =	shalt  }
0x6f: {  	_ =	shalt  }
0x70: {  	_ =	shalt  }
0x71: {  	_ =	shalt  }
0x72: {  	_ =	shalt  }
0x73: {  	_ =	shalt  }
0x74: {  	_ =	shalt  }
0x75: {  	_ =	shalt  }
0x76: {  	_ =	shalt  }
0x77: {  	_ =	shalt  }
0x78: {  	_ =	shalt  }
0x79: {  	_ =	shalt  }
0x7a: {  	_ =	shalt  }
0x7b: {  	_ =	shalt  }
0x7c: {  	_ =	shalt  }
0x7d: {  	_ =	shalt  }
0x7e: {  	_ =	shalt  }
0x7f: {  	_ =	shalt  }
0x80: {  	_ =	shalt  }
0x81: {  	_ =	shalt  }
0x82: {  	_ =	shalt  }
0x83: {  	_ =	shalt  }
0x84: {  	_ =	shalt  }
0x85: {  	_ =	shalt  }
0x86: {  	_ =	shalt  }
0x87: {  	_ =	shalt  }
.Lfunc_end0:
.L_simem_size_0:
called_computation_lowered:
.L_overlay_start_0:
0x88: {  	s2 =	sld [smem:$0x3FD9]  }
0x89: {  	s3 =	sld [smem:$0x3FFE];
	_ =	sdelay $0x1  }
0x8a: {  	s1 =	srdreg.scid  }
0x8b: {  	s0 =	sand.u32 $0x1, s1  }
0x8c: {  	s14 =	sshll.u32 s0, $0xA;
	s2 =	sadd.s32 s3, s2  }
0x8d: {  	s2 =	sadd.s32 s2, s14  }
0x8e: {  	[smem:$0x3FA2] =	sst s2  }
0x8f: {  	_ = 	snop  }
0x90: {  	s2 =	sld [smem:$0x3FD0];
	_ =	sdelay $0x2  }
0x91: {  	s15 =	simm.s32 $0xA;
	s4 =	simm.s32 $0x10  }
0x92: {  	[smem:s4], [sflag:s15] =	dma.local [hbm:s2], $0x1  }
0x93: {  	_ =	swait.eq [sflag:s15], $0x1  }
0x94: {  	[sflag:s15] =	ssyncset.done $0x0  }
0x95: {  	[sflag:s15] =	ssyncadd.s32 $0xFFFFFFFF  }
0x96: {  	s16 =	sld [smem:$0x11];
	(tm) =	ssettm $0x1  }
0x97: {  	s17 =	sld [smem:$0x3FFB];
	_ =	sdelay $0x3  }
0x98: {  	_ =	strace s17  }
0x99: {  	s3 =	sld [smem:$0x3FFC];
	_ =	sdelay $0x3  }
0x9a: {  	_ =	strace s3  }
0x9b: {  	s3 =	sld [smem:$0x3FFD];
	_ =	sdelay $0x3  }
0x9c: {  	_ =	strace s3  }
0x9d: {  	_ =	strace $0x8FFFFFFF  }
0x9e: {  	s18 =	sld [smem:$0x3FDB];
	_ =	sdelay $0x1  }
0x9f: {  	s19 =	simm.s32 $_scs_section_size  }
0xa0: {  	s5 =	simm.s32 $_size__tile_overlayer_lowered;
	s6 =	simm.s32 $_tile_overlayer_lowered  }
0xa1: {  	s22 =	simm.s32 $0x1BFF;
	s21 =	sshll.u32 s6, $0x1;
	s3 =	sadd.s32 s19, s18  }
0xa2: {  	s7 =	simm.s32 $0x0;
	s20 =	sshll.u32 s5, $0x1;
	s5 =	sadd.s32 s21, s3  }
0xa3: {  	[timem:s7], [sflag:s22] =	dma.local [hbm:s5], s20  }
0xa4: {  	_ =	swait.ge [sflag:s22], s20  }
0xa5: {  	s4 =	ssub.s32 $0x0, s20;
	[sflag:s22] =	ssyncset.done $0x0  }
0xa6: {  	[sflag:s22] =	ssyncadd.s32 s4;
	_ =	sdelay $0x1  }
0xa7: {  	s23 =	simm.s32 $0x1B8B  }
0xa8: {  	_ =	swait.ge [sflag:s23], $0x1  }
0xa9: {  	[sflag:s23] =	ssyncset.done $0x0  }
0xaa: {  	s25 =	simm.s32 $0x1B8E;
	s24 =	sld [smem:$0x3FFE];
	[sflag:s23] =	ssyncadd.s32 $0xFFFFFFFF  }
0xab: {  	s26 =	simm.s32 $execute0_lowered;
	[smem:$0x3FD2] =	sst s25  }
0xac: {  	s5 =	sshll.u32 s26, $0x1;
	_ =	strace $0x80000046;
	[dreg:$0x1] =	wrdreg $0xFFFFFFFF  }
0xad: {  	s28 =	simm.s32 $_size_execute0_lowered;
	s3 =	sadd.s32 s3, s5;
	[dreg:$0x0] =	wrdreg $0x0  }
0xae: {  	s5 =	sshll.u32 s28, $0x1;
	[dreg:$0x2] =	wrdreg s3  }
0xaf: {  	[dreg:$0x3] =	wrdreg s5  }
0xb0: {  	[dreg:$0x4] =	wrdreg $0xC0  }
0xb1: {  	_ =	task [dreg:s7], $0x5FFFF  }
0xb2: {  	[dreg:$0x1] =	wrdreg $0xFFFFFFFF  }
0xb3: {  	[dreg:$0x0] =	wrdreg $0x60  }
0xb4: {  	[dreg:$0x2] =	wrdreg s24  }
0xb5: {  	[dreg:$0x3] =	wrdreg s16  }
0xb6: {  	[dreg:$0x4] =	wrdreg $0x9  }
0xb7: {  	_ =	task.clear_ibuf [dreg:s7], $0x5FFFF;
	_ =	strace $0x90000046  }
0xb8: {  	s29 =	simm.s32 $0x9;
	_ =	strace $0x80000048  }
0xb9: {  	_ =	swait.ge [sflag:s29], $0x1  }
0xba: {  	[sflag:s29] =	ssyncadd.s32 $0xFFFFFFFF  }
0xbb: {  	_ =	strace $0x90000048  }
0xbc: {  	_ =	sfence  }
0xbd: {  	s30 =	sld [smem:$0x0];
	_ =	sdelay $0x2  }
0xbe: {  	s31 =	sshll.u32 s1, $0xD;
	s1 =	sshrl.u32 s1, $0x2  }
0xbf: {  	s3 =	sand.u32 $0x4000, s31;
	s1 =	sadd.s32 s1, s30  }
0xc0: {  	s0 =	sor.u32 s3, s0;
	s1 =	sshll.u32 s1, $0x11  }
0xc1: {  	s0 =	sor.u32 s1, s0  }
0xc2: {  	s0 =	sadd.s32 $0x8F2B, s0  }
0xc3: {  	[sflag:s0] =	ssyncadd.remote.s32 $0x1  }
0xc4: {  	_ =	sfence.sel $0xFFFF  }
0xc5: {  	[dreg:$0x0] =	wrdreg $0xFFFFFFFF;
	(pc) =	sbr.abs _section_cstart, $3  }
0xc6: {  	[dreg:$0x1] =	wrdreg $0xFFFFFFFF  }
0xc7: {  	_ =	task.clear_ibuf [dreg:s7], $0x2FFFF;
	_ =	strace $0x9FFFFFFF  }
0xc8: {  	(tm) =	ssettm $0x7FFFFFFF  }
0xc9: {  	_ =	shalt  }
tec
execute0_lowered:
.L_overlay_start_1:
0x0: {  	(tag) =	ssettag $0x1  }
0x1: {  	s7 =	rddreg [dreg:$0x0]  }
0x2: {  	s2 =	rddreg [dreg:$0x1]  }
0x3: {  	s0 =	rddreg [dreg:$0x2]  }
0x4: {  	s1 =	srdreg.scid;
	_ =	strace $0x80000047;
	s4 =	simm.s32 $0x1  }
0x5: {  	s9 =	simm.s32 $0x3;
	s12 =	simm.s32 $0x0;
	s5 =	sshll.u32 s1, $0x4  }
.Ltmp0:
0x6: {  	s1 =	stileid.u32;
	s5 =	sand.u32 $0x10, s5;
	(pc) =	sbr.rel .LBB2_1-.Ltmp0, $4  }
0x7: {  	s10 =	simm.s32 $0x0;
	s3 =	sadd.s32 $0x5400, s7;
	s6 =	sor.u32 s1, s5  }
0x8: {  	[sflag:s4] =	ssyncpa.u1 $0x0;
	s5 =	simm.s32 $0x2;
	s6 =	sshll.u32 s6, $0x7  }
0x9: {  	s7 =	sadd.s32 $0x85600, s7;
	[sflag:s5] =	ssyncpa.u1 $0x0;
	s8 =	sadd.s32 $0x80, s6  }
0xa: {  	vm0 =	vmmov $0xff;
	vm1 =	vcmask $0x3F20;
	[sflag:s9] =	ssyncpa.u1 $0x0;
	s9 =	simm.s32 $0x80;
	s11 =	smov.u32 s6  }
.LBB2_9:
0xb: {  	p0 =	seq.s32 s10, $0x2  }
.Ltmp1:
0xc: {  	_ = 	snop;
	(pc) =	sbr.rel @p0 .LBB2_11-.Ltmp1, $1  }
0xd: {  	_ =	sdelay $0x3  }
.LBB2_10:
0xe: {  	s12 =	sadd.s32 $0x80, s11  }
0xf: {  	s13 =	smov.u32 s6;
	p0 =	slt.s32 s12, s8  }
0x10: {  	s13 =	smov.u32 @p0 s12  }
0x11: {  	s10 =	sadd.s32 $0x1, s10;
	s12 =	smov.u32 s11;
	s11 =	smov.u32 s13  }
.LBB2_1:
0x12: {  	p0 =	sne.s32 s10, $0x0  }
.Ltmp2:
0x13: {  	_ = 	snop;
	(pc) =	sbr.rel @!p0 .LBB2_2-.Ltmp2, $1  }
0x14: {  	_ =	sdelay $0x3  }
0x15: {  	s13 =	sand.u32 $0x1, s10  }
0x16: {  	p0 =	seq.s32 s13, $0x0  }
.Ltmp3:
0x17: {  	_ = 	snop;
	(pc) =	sbr.rel @p0 .LBB2_9-.Ltmp3, $1  }
0x18: {  	_ =	sdelay $0x3  }
0x19: {  	_ =	swait.ge [sflag:s5], $0x80  }
0x1a: {  	[sflag:s5] =	ssyncset.done $0x0  }
0x1b: {  	s13 =	simm.s32 $0x0;
	[sflag:s5] =	ssyncadd.s32 $0xFFFFFF80  }
0x1c: {  	v0 =	vld.msk [tilespmem:s13+$0x80 ss:$0x1], $0xffff;
	_ =	sdelay $0x4  }
0x1d: {  	v1 =	vshll.u32 v0, $0x4  }
0x1e: {  	vm2 =	veq.s32 v0, $0x80000000;
	v0 =	vshll.u32 v0, $0x13;
	v1 =	vand.u32 $0x7FF80, v1  }
0x1f: {  	v0 =	vand.u32 $0x380000, v0;
	v1 =	vsel vm2, $0xFFFFFF80, v1  }
0x20: {  	v0 =	vsel vm2, $0xFFF80000, v0;
	v2 =	vand.u32 $0xFFFFFC00, v1  }
0x21: {  	v1 =	vand.u32 $0x380, v1;
	v0 =	vadd.s32 v0, v2  }
0x22: {  	v0 =	vor.u32 v1, v0  }
0x23: {  	v0 =	vshrl.u32 v0, $0x3;
	_ =	sdelay $0x3  }
0x24: {  	s13 =	simm.s32 $0x4100  }
0x25: {  	[tilespmem:s13], [sflag:$0x1] =	stream.indirect_vreg.gather [hbm:s3], $0x80, v0, vm0, $0x38;
	[tilespmem:$0x8100] =	vst v63  }
0x26: {  	s14 =	simm.s32 $0x4500;
	s31 =	simm.s32 $0x10  }
0x27: {  	[tilespmem:s14], [sflag:$0x1] =	stream.indirect_vreg.gather [hbm:s3], $0x80, v0, vm1, $0x38;
	[tilespmem:$0x8100] =	vst v63  }
0x28: {  	s14 =	simm.s32 $0x80;
	v0 =	vld.msk [tilespmem:s31+$0x80 ss:$0x1], $0xffff  }
.LBB2_5:
0x29: {  	p0 =	sne.s32 s14, $0x1C0;
	_ =	sdelay $0x4  }
0x2a: {  	v1 =	vshll.u32 v0, $0x4  }
0x2b: {  	vm2 =	veq.s32 v0, $0x80000000;
	v0 =	vshll.u32 v0, $0x13;
	v1 =	vand.u32 $0x7FF80, v1  }
0x2c: {  	v0 =	vand.u32 $0x380000, v0;
	v1 =	vsel vm2, $0xFFFFFF80, v1  }
0x2d: {  	v0 =	vsel vm2, $0xFFF80000, v0;
	v2 =	vand.u32 $0xFFFFFC00, v1  }
0x2e: {  	v1 =	vand.u32 $0x380, v1;
	v0 =	vadd.s32 v0, v2  }
0x2f: {  	v0 =	vor.u32 v1, v0  }
0x30: {  	v0 =	vshrl.u32 v0, $0x3;
	_ =	sdelay $0x3  }
.Ltmp4:
0x31: {  	s13 =	sadd.s32 $0x800, s13;
	(pc) =	sbr.rel @p0 .LBB2_5-.Ltmp4, $4  }
0x32: {  	[tilespmem:s13], [sflag:$0x1] =	stream.indirect_vreg.gather [hbm:s3], $0x80, v0, vm0, $0x38;
	[tilespmem:$0x8100] =	vst v63  }
0x33: {  	s15 =	sshra.s32 s14, $0x2;
	s16 =	sadd.s32 $0x400, s13  }
0x34: {  	[tilespmem:s16], [sflag:$0x1] =	stream.indirect_vreg.gather [hbm:s3], $0x80, v0, vm1, $0x38;
	[tilespmem:$0x8100] =	vst v63  }
0x35: {  	s14 =	sadd.s32 $0x40, s14;
	v0 =	vld.msk [tilespmem:s15+$0x80 ss:$0x1], $0xffff  }
0x36: {  	_ =	sdelay $0x3  }
0x37: {  	v1 =	vshll.u32 v0, $0x4  }
0x38: {  	vm2 =	veq.s32 v0, $0x80000000;
	v63 =	vshll.u32 v0, $0x13;
	v1 =	vand.u32 $0x7FF80, v1  }
0x39: {  	v0 =	vand.u32 $0x380000, v63;
	v1 =	vsel vm2, $0xFFFFFF80, v1  }
0x3a: {  	v0 =	vsel vm2, $0xFFF80000, v0;
	v2 =	vand.u32 $0xFFFFFC00, v1  }
0x3b: {  	v1 =	vand.u32 $0x380, v1;
	v0 =	vadd.s32 v0, v2  }
0x3c: {  	v0 =	vor.u32 v1, v0  }
0x3d: {  	v0 =	vshrl.u32 v0, $0x3;
	_ =	sdelay $0x3  }
0x3e: {  	s13 =	sadd.s32 $0x800, s13  }
0x3f: {  	[tilespmem:s13], [sflag:$0x1] =	stream.indirect_vreg.gather [hbm:s3], $0x80, v0, vm0, $0x38;
	[tilespmem:$0x8100] =	vst v63  }
0x40: {  	s13 =	sadd.s32 $0x400, s13  }
0x41: {  	[tilespmem:s13], [sflag:$0x1] =	stream.indirect_vreg.gather [hbm:s3], $0x80, v0, vm1, $0x38;
	[tilespmem:$0x8100] =	vst v63  }
0x42: {  	s12 =	sshll.u32 s12, $0x4;
	s14 =	simm.s32 $0x80;
	_ =	swait.ge [sflag:s4], $0x4000  }
0x43: {  	s15 =	simm.s32 $0x4500;
	s12 =	sadd.s32 s12, s7;
	[sflag:s4] =	ssyncset.done $0x0  }
0x44: {  	s16 =	sadd.s32 $0x0, s12;
	s13 =	simm.s32 $0x4100;
	[sflag:s4] =	ssyncadd.s32 $0xFFFFC000  }
.LBB2_7:
0x45: {  	[hbm:s16] =	stream.linear.scatter [tilespmem:s13], [sflag:$0x3], $0x400, $0x38;
	[tilespmem:$0x8100] =	vst v63  }
0x46: {  	s16 =	smov.u32 s14;
	s13 =	smov.u32 s15;
	p0 =	sne.s32 s14, $0x780  }
.Ltmp5:
0x47: {  	s14 =	sadd.s32 $0x80, s14;
	(pc) =	sbr.rel @p0 .LBB2_7-.Ltmp5, $2  }
0x48: {  	_ =	sdelay $0x2  }
0x49: {  	s15 =	sadd.s32 $0x400, s15;
	s16 =	sadd.s32 s16, s12  }
.Ltmp6:
0x4a: {  	(pc) =	sbr.rel .LBB2_9-.Ltmp6, $2  }
0x4b: {  	_ =	sdelay $0x2  }
0x4c: {  	[hbm:s16] =	stream.linear.scatter [tilespmem:s13], [sflag:$0x3], $0x400, $0x38;
	[tilespmem:$0x8100] =	vst v63  }
.LBB2_2:
.Ltmp7:
0x4d: {  	(pc) =	sbr.rel .LBB2_10-.Ltmp7, $4  }
0x4e: {  	_ = 	snop  }
0x4f: {  	s12 =	sshrl.u32 s11, $0x3  }
0x50: {  	s13 =	sand.u32 $0x7, s11;
	s12 =	sadd.s32 s2, s12  }
0x51: {  	[tilespmem:s9], [sflag:$0x2] =	stream.linear.gather [hbm4b:s12+s13], $0x80, $0x38;
	[tilespmem:$0x8100] =	vst v63  }
.LBB2_11:
0x52: {  	s2 =	simm.s32 $0x3  }
0x53: {  	_ =	swait.ge [sflag:s2], $0x4000  }
0x54: {  	[sflag:s2] =	ssyncset.done $0x0  }
0x55: {  	[sflag:s2] =	ssyncadd.s32 $0xFFFFC000  }
0x56: {  	_ =	sfence.sel $0x180000  }
0x57: {  	s3 =	simm.s32 $0x2;
	[bflag:$0x0] =	sbarrier.arrive $0xFFFF  }
0x58: {  	[sflag:s3] =	ssyncpa.u1 $0x1  }
0x59: {  	s31 =	simm.s32 $0x1;
	[sflag:s2] =	ssyncpa.u1 $0x1  }
0x5a: {  	[sflag:s31] =	ssyncpa.u1 $0x1  }
0x5b: {  	p0 =	sne.s32 s1, $0x0;
	_ =	strace $0x90000047  }
0x5c: {  	s0 =	sadd.s32 @!p0 $0x100000, s0;
	[bflag:$0x2] =	sbarrier.arrive $0xFFFF  }
0x5d: {  	[sflag:s0] =	ssyncadd.tile.s32 @!p0 $0x1;
	_ =	shalt  }
.Lfunc_end2:
_tile_overlayer_lowered:
.L_overlay_start_2:
0x5e: {  	(tag) =	ssettag $0x2  }
0x5f: {  	s0 =	rddreg [dreg:$0x0];
	s2 =	stileid.u32  }
0x60: {  	s1 =	rddreg [dreg:$0x1];
	p0 =	sne.s32 s2, $0x0  }
0x61: {  	s3 =	rddreg [dreg:$0x2];
	[bflag:$0x3] =	sbarrier.arrive $0xFFFF;
	s2 =	simm.s32 @!p0 $0x1C01  }
0x62: {  	[timem:s3], [sflag:s2] =	dma.local @!p0 [hbm:s0], s1  }
0x63: {  	s0 =	simm.s32 @!p0 $0x1  }
0x64: {  	_ =	swait.ge @!p0 [sflag:s0], s1  }
0x65: {  	s1 =	ssub.s32 @!p0 $0x0, s1;
	[sflag:s0] =	ssyncset.done @!p0 $0x0  }
0x66: {  	[sflag:s0] =	ssyncadd.s32 @!p0 s1  }
0x67: {  	[bflag:$0x3] =	sbarrier.arrive $0xFFFF  }
0x68: {  	_ =	shalt  }

</sc_bundles>
